<compile_context>
chip_gen: v7x
topology: tpu7x:2x2x1
jax: 0.10.2.dev20260603
libtpu: 0.0.44.dev20260713+nightly
codegen_flags: <defaults>
</compile_context>

<pallas_src>
import functools
import math

import jax
import jax.numpy as jnp
from jax import lax
from jax.experimental import pallas as pl
from jax.experimental.pallas import tpu as pltpu
from jax.experimental.pallas import tpu_sc as plsc

K = 36


def _mlp_body(x_ref, w1_ref, b1_ref, w2_ref, b2_ref, o_ref):
    x = x_ref[...]
    h = jnp.dot(x, w1_ref[...], preferred_element_type=jnp.float32) + b1_ref[...]
    h = jnp.maximum(h, 0.0)
    f = jnp.dot(h, w2_ref[...], preferred_element_type=jnp.float32) + b2_ref[...]
    o_ref[...] = jnp.maximum(f, 0.0)


def _mlp(x, w1t, b1, w2t, b2, block=1024):
    m, d = x.shape
    grid = (m // block,)
    return pl.pallas_call(
        _mlp_body,
        grid=grid,
        in_specs=[
            pl.BlockSpec((block, d), lambda i: (i, 0)),
            pl.BlockSpec((d, d), lambda i: (0, 0)),
            pl.BlockSpec((1, d), lambda i: (0, 0)),
            pl.BlockSpec((d, d), lambda i: (0, 0)),
            pl.BlockSpec((1, d), lambda i: (0, 0)),
        ],
        out_specs=pl.BlockSpec((block, d), lambda i: (i, 0)),
        out_shape=jax.ShapeDtypeStruct((m, d), jnp.float32),
    )(x, w1t, b1, w2t, b2)


def _knn_body(xyzq_ref, xyzt_ref, o_ref, *, n):
    b = pl.program_id(0)
    xq = xyzq_ref[0]
    xt = xyzt_ref[0]
    sqq = jnp.sum(xq * xq, axis=1, keepdims=True)
    sqc = jnp.sum(xt * xt, axis=0, keepdims=True)
    cross = jnp.dot(xq.astype(jnp.bfloat16), xt.astype(jnp.bfloat16),
                    preferred_element_type=jnp.float32)
    d = sqq + sqc - 2.0 * cross
    bq = d.shape[0]
    iota = lax.broadcasted_iota(jnp.int32, (bq, n), 1).astype(jnp.float32)
    cols = []
    big = jnp.float32(1e9)
    inf = jnp.float32(jnp.inf)
    for _ in range(K):
        m = jnp.min(d, axis=1, keepdims=True)
        cand = jnp.where(d <= m, iota, big)
        a = jnp.min(cand, axis=1, keepdims=True)
        cols.append(a)
        d = jnp.where(cand == a, inf, d)
    idx = jnp.concatenate(cols, axis=1).astype(jnp.int32)
    o_ref[0] = idx + b * n


def _knn(xyzq, xyzt, bq=256):
    b, n, _ = xyzq.shape
    grid = (b, n // bq)
    return pl.pallas_call(
        functools.partial(_knn_body, n=n),
        grid=grid,
        in_specs=[
            pl.BlockSpec((1, bq, 8), lambda i, j: (i, j, 0)),
            pl.BlockSpec((1, 8, n), lambda i, j: (i, 0, 0)),
        ],
        out_specs=pl.BlockSpec((1, bq, K), lambda i, j: (i, j, 0)),
        out_shape=jax.ShapeDtypeStruct((b, n, K), jnp.int32),
    )(xyzq, xyzt)


def _sc_gather(table, idx):
    d = table.shape[1]
    total = idx.shape[0]
    info = plsc.get_sparse_core_info()
    nc, ns = info.num_cores, info.num_subcores
    nw = nc * ns
    per_w = total // nw
    chunk = 128
    steps = per_w // chunk
    mesh = plsc.VectorSubcoreMesh(core_axis_name="c", subcore_axis_name="s")

    nbuf = 4
    rounds = steps // nbuf

    @functools.partial(
        pl.kernel,
        out_type=jax.ShapeDtypeStruct((total, d), jnp.float32),
        mesh=mesh,
        scratch_types=[
            pltpu.VMEM((per_w,), jnp.int32),
            [pltpu.VMEM((chunk, d), jnp.float32) for _ in range(nbuf)],
            [pltpu.SemaphoreType.DMA for _ in range(nbuf)],
            [pltpu.SemaphoreType.DMA for _ in range(nbuf)],
        ],
    )
    def gather_kernel(table_hbm, idx_hbm, out_hbm, idx_v, bufs, sg, so):
        wid = lax.axis_index("s") * nc + lax.axis_index("c")
        base = wid * per_w
        pltpu.sync_copy(idx_hbm.at[pl.ds(base, per_w)], idx_v)

        def gather(i, p):
            return pltpu.make_async_copy(
                table_hbm.at[idx_v.at[pl.ds(i * chunk, chunk)]], bufs[p], sg[p])

        def put(i, p):
            return pltpu.make_async_copy(
                bufs[p], out_hbm.at[pl.ds(base + i * chunk, chunk)], so[p])

        for p in range(nbuf - 1):
            gather(p, p).start()

        def round_(j, carry):
            i0 = j * nbuf
            for p in range(nbuf):
                i = i0 + p
                q = (p + nbuf - 1) % nbuf
                gather(i, p).wait()

                @pl.when(i >= 1)
                def _():
                    put(i - 1, q).wait()

                @pl.when(i + nbuf - 1 < steps)
                def _():
                    gather(i + nbuf - 1, q).start()

                put(i, p).start()
            return carry

        lax.fori_loop(0, rounds, round_, 0)
        put(steps - 1, nbuf - 1).wait()

    return gather_kernel(table, idx)


def _fused_body(g_ref, f_ref, wr_ref, br_ref, m_ref, o_ref, *, r):
    f = f_ref[...]
    scale = 1.0 / math.sqrt(128.0)
    s_acc = jnp.zeros((r, 32), jnp.float32)
    t_acc = jnp.zeros((r, 32), jnp.float32)
    for b in range(9):
        gb = g_ref[b]
        diff = gb - f
        x = jnp.dot(diff, wr_ref[...], preferred_element_type=jnp.float32)
        e = jnp.exp((x + br_ref[...]) * scale)
        mb = m_ref[b]
        s_acc += jnp.dot(e, mb, preferred_element_type=jnp.float32)
        t_acc += jnp.dot(e * gb, mb, preferred_element_type=jnp.float32)
    o_ref[...] = t_acc / s_acc


def _fused(g_slab, feat, wrt, br, mmask, r=2048):
    m4 = g_slab.shape[1]
    mn = feat.shape[0]
    nb = mn // r
    grid = (m4 // r,)
    return pl.pallas_call(
        functools.partial(_fused_body, r=r),
        grid=grid,
        in_specs=[
            pl.BlockSpec((9, r, 128), lambda i: (0, i, 0)),
            pl.BlockSpec((r, 128), lambda i: (i % nb, 0)),
            pl.BlockSpec((128, 128), lambda i: (0, 0)),
            pl.BlockSpec((1, 128), lambda i: (0, 0)),
            pl.BlockSpec((9, 128, 32), lambda i: (0, 0, 0)),
        ],
        out_specs=pl.BlockSpec((r, 32), lambda i: (i, 0)),
        out_shape=jax.ShapeDtypeStruct((m4, 32), jnp.float32),
    )(g_slab, feat, wrt, br, mmask)


def _final_body(x_ref, w_ref, b_ref, o_ref):
    acc = b_ref[...]
    for a in range(4):
        acc = acc + jnp.dot(x_ref[a], w_ref[a],
                            preferred_element_type=jnp.float32)
    o_ref[...] = acc


def _final(op4, wst4, bs, block=2048):
    m, d = op4.shape[1], wst4.shape[2]
    grid = (m // block,)
    return pl.pallas_call(
        _final_body,
        grid=grid,
        in_specs=[
            pl.BlockSpec((4, block, 32), lambda i: (0, i, 0)),
            pl.BlockSpec((4, 32, d), lambda i: (0, 0, 0)),
            pl.BlockSpec((1, d), lambda i: (0, 0)),
        ],
        out_specs=pl.BlockSpec((block, d), lambda i: (i, 0)),
        out_shape=jax.ShapeDtypeStruct((m, d), jnp.float32),
    )(op4, wst4, bs)


def kernel(feature, xyz, W1, b1, W2, b2, Wr, br, Ws, bs, knn_num):
    B, N, D = feature.shape
    xyzp = jnp.pad(xyz, ((0, 0), (0, 0), (0, 5)))
    xyzt = jnp.transpose(xyzp, (0, 2, 1))

    idx = _knn(xyzp, xyzt)

    feat = _mlp(feature.reshape(B * N, D), W1.T, b1[None], W2.T, b2[None])

    mmask = (jnp.arange(9 * 128)[:, None] // K == jnp.arange(32)[None, :]
             ).astype(jnp.float32).reshape(9, 128, 32)

    idx_slab = idx.reshape(B * N, 4, 9).transpose(2, 1, 0).reshape(-1)
    g = _sc_gather(feat, idx_slab)

    op = _fused(g.reshape(9, 4 * B * N, D), feat, Wr.T, br[None], mmask)

    out = _final(op.reshape(4, B * N, 32), Ws.T.reshape(4, 32, D), bs[None])
    return (out.reshape(B, N, D), N)

# --- scband reference (transcript-rebuilt; emitter-appended) ---
"""Pipeline reference for scband-transformer-layer2-19318762897743 (READ-ONLY COPY).

The authoritative reference and input builder live on the scoring server;
editing this copy changes nothing except your own understanding.
"""

import jax, jax.numpy as jnp
import numpy as np
import math


def _linear(x, W, b):
    return jnp.matmul(x, W.T) + b


def _index_points(points, idx):
    B = points.shape[0]
    batch = jnp.arange(B)[:, None, None]
    return points[batch, idx]


def _knn_point(nsample, xyz, new_xyz):
    sq_src = jnp.sum(new_xyz ** 2, axis=-1)[:, :, None]
    sq_dst = jnp.sum(xyz ** 2, axis=-1)[:, None, :]
    cross = jnp.einsum('bnd,bmd->bnm', new_xyz, xyz)
    sqrdists = sq_src + sq_dst - 2.0 * cross
    _, idx = jax.lax.top_k(-sqrdists, nsample)
    return idx


def setup_inputs(seed: int = 0):
    key = jax.random.key(seed)
    ks = jax.random.split(key, 8)
    B, N, input_dim, out_dim = 2, 4096, 128, 128
    feature = jax.random.normal(ks[0], (B, N, input_dim), dtype=jnp.float32)
    xyz = jax.random.uniform(ks[1], (B, N, 3), dtype=jnp.float32)

    def lin(k, fan_in, fan_out):
        kw, kb = jax.random.split(k)
        bound = 1.0 / math.sqrt(fan_in)
        W = jax.random.uniform(kw, (fan_out, fan_in), minval=-bound, maxval=bound, dtype=jnp.float32)
        b = jax.random.uniform(kb, (fan_out,), minval=-bound, maxval=bound, dtype=jnp.float32)
        return W, b

    W1, b1 = lin(ks[2], input_dim, out_dim)
    W2, b2 = lin(ks[3], out_dim, out_dim)
    Wr, br = lin(ks[4], out_dim, out_dim)
    Ws, bs = lin(ks[5], out_dim, out_dim)
    return {"feature": feature, "xyz": xyz, "W1": W1, "b1": b1, "W2": W2, "b2": b2, "Wr": Wr, "br": br, "Ws": Ws, "bs": bs, "knn_num": 36}


def reference(feature, xyz, W1, b1, W2, b2, Wr, br, Ws, bs, knn_num=36):
    B, N, _ = feature.shape
    out_dim = W2.shape[0]
    knn_num_static = 36
    point_index = _knn_point(knn_num_static, xyz, xyz)
    point_index = point_index + (knn_num - knn_num)
    h = jax.nn.relu(_linear(feature, W1, b1))
    h = _linear(h, W2, b2)
    feat = jax.nn.relu(h)
    r = feat
    s = feat
    t = feat
    diff = _index_points(r, point_index) - s[:, :, None, :]
    weight = _linear(diff, Wr, br).reshape(B, N, out_dim, 1, -1)
    group_feature = _index_points(t, point_index).reshape(B, N, out_dim, -1, 1)
    weight = jax.nn.softmax(weight / math.sqrt(weight.shape[-3]), axis=-1)
    out = jnp.matmul(weight, group_feature)
    out = jnp.squeeze(out)
    if B == 1:
        out = out[None]
    out = _linear(out, Ws, bs)
    return (out, N)

if __name__ == "__main__":
    import jax
    _d = setup_inputs()
    print(jax.jit(kernel)(*tuple(_d.values())))

</pallas_src>

<mosaic_0001>
#map = affine_map<(d0, d1) -> (0, 0)>
#map1 = affine_map<(d0, d1) -> (0)>
module attributes {stable_mosaic.version = 14 : i64} {
  func.func @gather_kernel(%arg0: i32, %arg1: i32, %arg2: memref<8192x128xf32, #tpu.memory_space<hbm>>, %arg3: memref<294912xi32, #tpu.memory_space<hbm>>, %arg4: memref<294912x128xf32, #tpu.memory_space<hbm>>, %arg5: memref<9216xi32, #tpu.memory_space<vmem>>, %arg6: memref<128x128xf32, #tpu.memory_space<vmem>>, %arg7: memref<128x128xf32, #tpu.memory_space<vmem>>, %arg8: memref<128x128xf32, #tpu.memory_space<vmem>>, %arg9: memref<128x128xf32, #tpu.memory_space<vmem>>, %arg10: memref<!tpu.dma_semaphore, #tpu.memory_space<semaphore_mem>>, %arg11: memref<!tpu.dma_semaphore, #tpu.memory_space<semaphore_mem>>, %arg12: memref<!tpu.dma_semaphore, #tpu.memory_space<semaphore_mem>>, %arg13: memref<!tpu.dma_semaphore, #tpu.memory_space<semaphore_mem>>, %arg14: memref<!tpu.dma_semaphore, #tpu.memory_space<semaphore_mem>>, %arg15: memref<!tpu.dma_semaphore, #tpu.memory_space<semaphore_mem>>, %arg16: memref<!tpu.dma_semaphore, #tpu.memory_space<semaphore_mem>>, %arg17: memref<!tpu.dma_semaphore, #tpu.memory_space<semaphore_mem>>) attributes {dimension_semantics = [#tpu.dimension_semantics<core_parallel>, #tpu.dimension_semantics<subcore_parallel>], iteration_bounds = array<i64: 2, 16>, scalar_prefetch = 0 : i64, scratch_operands = 13 : i64, tpu.core_type = #tpu.core_type<sc_vector_subcore>, window_params = [{transform_indices = #map}, {transform_indices = #map1}, {transform_indices = #map}]} {
    %mul3A = arith.constant 2 : i32
    %mul3A_0 = arith.muli %arg1, %mul3A : i32
    %add3A = arith.addi %mul3A_0, %arg0 : i32
    %mul3A_1 = arith.constant 9216 : i32
    %mul3A_2 = arith.muli %add3A, %mul3A_1 : i32
    "tpu.region"() ({
      %run_scoped3A = tpu.sem_alloc : memref<!tpu.dma_semaphore, #tpu.memory_space<semaphore_mem>>
      %dma_start3A_27 = tpu.memref_slice %arg3[%mul3A_2] : memref<294912xi32, #tpu.memory_space<hbm>> -> memref<9216xi32, #tpu.memory_space<hbm>>
      %dma_start3A_28 = tpu.memref_slice %arg3[%mul3A_2] : memref<294912xi32, #tpu.memory_space<hbm>> -> memref<9216xi32, #tpu.memory_space<hbm>>
      tpu.enqueue_dma source(%dma_start3A_28 : memref<9216xi32, #tpu.memory_space<hbm>>) target(%arg5 : memref<9216xi32, #tpu.memory_space<vmem>>) target_semaphore(%run_scoped3A : memref<!tpu.dma_semaphore, #tpu.memory_space<semaphore_mem>>)
      %dma_wait3A_29 = tpu.memref_slice %arg3[%mul3A_2] : memref<294912xi32, #tpu.memory_space<hbm>> -> memref<9216xi32, #tpu.memory_space<hbm>>
      %dma_wait3A_30 = tpu.memref_slice %arg3[%mul3A_2] : memref<294912xi32, #tpu.memory_space<hbm>> -> memref<9216xi32, #tpu.memory_space<hbm>>
      tpu.wait_dma2 semaphore(%run_scoped3A : memref<!tpu.dma_semaphore, #tpu.memory_space<semaphore_mem>>) src(%dma_wait3A_30 : memref<9216xi32, #tpu.memory_space<hbm>>) dst(%arg5 : memref<9216xi32, #tpu.memory_space<vmem>>)
      tpu.yield
    }) : () -> ()
    %dma_start3A = arith.constant 0 : i32
    %dma_start3A_3 = tpu.memref_slice %arg5[%dma_start3A] : memref<9216xi32, #tpu.memory_space<vmem>> -> memref<128xi32, #tpu.memory_space<vmem>>
    %dma_start3A_4 = arith.constant 0 : i32
    %dma_start3A_5 = arith.constant 0 : i32
    %dma_start3A_6 = tpu.memref_slice %arg2[%dma_start3A_4, %dma_start3A_5] : memref<8192x128xf32, #tpu.memory_space<hbm>> -> memref<8192x128xf32, #tpu.memory_space<hbm>>
    tpu.enqueue_indirect_dma source(%dma_start3A_6 : memref<8192x128xf32, #tpu.memory_space<hbm>>) target(%arg6 : memref<128x128xf32, #tpu.memory_space<vmem>>) offsets(%dma_start3A_3 : memref<128xi32, #tpu.memory_space<vmem>>) semaphore(%arg10 : memref<!tpu.dma_semaphore, #tpu.memory_space<semaphore_mem>>)
    %dma_start3A_7 = arith.constant 128 : i32
    %dma_start3A_8 = tpu.memref_slice %arg5[%dma_start3A_7] : memref<9216xi32, #tpu.memory_space<vmem>> -> memref<128xi32, #tpu.memory_space<vmem>>
    %dma_start3A_9 = arith.constant 0 : i32
    %dma_start3A_10 = arith.constant 0 : i32
    %dma_start3A_11 = tpu.memref_slice %arg2[%dma_start3A_9, %dma_start3A_10] : memref<8192x128xf32, #tpu.memory_space<hbm>> -> memref<8192x128xf32, #tpu.memory_space<hbm>>
    tpu.enqueue_indirect_dma source(%dma_start3A_11 : memref<8192x128xf32, #tpu.memory_space<hbm>>) target(%arg7 : memref<128x128xf32, #tpu.memory_space<vmem>>) offsets(%dma_start3A_8 : memref<128xi32, #tpu.memory_space<vmem>>) semaphore(%arg11 : memref<!tpu.dma_semaphore, #tpu.memory_space<semaphore_mem>>)
    %dma_start3A_12 = arith.constant 256 : i32
    %dma_start3A_13 = tpu.memref_slice %arg5[%dma_start3A_12] : memref<9216xi32, #tpu.memory_space<vmem>> -> memref<128xi32, #tpu.memory_space<vmem>>
    %dma_start3A_14 = arith.constant 0 : i32
    %dma_start3A_15 = arith.constant 0 : i32
    %dma_start3A_16 = tpu.memref_slice %arg2[%dma_start3A_14, %dma_start3A_15] : memref<8192x128xf32, #tpu.memory_space<hbm>> -> memref<8192x128xf32, #tpu.memory_space<hbm>>
    tpu.enqueue_indirect_dma source(%dma_start3A_16 : memref<8192x128xf32, #tpu.memory_space<hbm>>) target(%arg8 : memref<128x128xf32, #tpu.memory_space<vmem>>) offsets(%dma_start3A_13 : memref<128xi32, #tpu.memory_space<vmem>>) semaphore(%arg12 : memref<!tpu.dma_semaphore, #tpu.memory_space<semaphore_mem>>)
    %scan3A = arith.constant 0 : i32
    %scan3A_17 = arith.constant 0 : i32
    %scan3A_18 = arith.constant 18 : i32
    %scan3A_19 = arith.addi %scan3A_17, %scan3A_18 : i32
    %scan3A_20 = arith.constant 1 : i32
    scf.for %scan3A_27 = %scan3A_17 to %scan3A_19 step %scan3A_20  : i32 {
      %mul3A_28 = arith.constant 4 : i32
      %mul3A_29 = arith.muli %scan3A_27, %mul3A_28 : i32
      %add3A_30 = arith.constant 0 : i32
      %add3A_31 = arith.addi %mul3A_29, %add3A_30 : i32
      %mul3A_32 = arith.constant 128 : i32
      %mul3A_33 = arith.muli %add3A_31, %mul3A_32 : i32
      %dma_wait3A_34 = tpu.memref_slice %arg5[%mul3A_33] : memref<9216xi32, #tpu.memory_space<vmem>> -> memref<128xi32, #tpu.memory_space<vmem>>
      %dma_wait3A_35 = arith.constant 0 : i32
      %dma_wait3A_36 = arith.constant 0 : i32
      %dma_wait3A_37 = tpu.memref_slice %arg2[%dma_wait3A_35, %dma_wait3A_36] : memref<8192x128xf32, #tpu.memory_space<hbm>> -> memref<8192x128xf32, #tpu.memory_space<hbm>>
      tpu.wait_indirect_dma semaphore(%arg10 : memref<!tpu.dma_semaphore, #tpu.memory_space<semaphore_mem>>) src(%dma_wait3A_37 : memref<8192x128xf32, #tpu.memory_space<hbm>>) dst(%arg6 : memref<128x128xf32, #tpu.memory_space<vmem>>)
      %ge3A = arith.constant 1 : i32
      %ge3A_38 = arith.cmpi sge, %add3A_31, %ge3A : i32
      %convert_element_type3A = arith.extui %ge3A_38 : i1 to i32
      %cond3A = arith.constant 0 : i32
      %cond3A_39 = arith.cmpi ne, %convert_element_type3A, %cond3A : i32
      scf.if %cond3A_39 {
        %sub3A_141 = arith.constant 1 : i32
        %sub3A_142 = arith.subi %add3A_31, %sub3A_141 : i32
        %mul3A_143 = arith.constant 128 : i32
        %mul3A_144 = arith.muli %sub3A_142, %mul3A_143 : i32
        %add3A_145 = arith.addi %mul3A_2, %mul3A_144 : i32
        %dma_wait3A_146 = arith.constant 0 : i32
        %dma_wait3A_147 = tpu.memref_slice %arg4[%add3A_145, %dma_wait3A_146] : memref<294912x128xf32, #tpu.memory_space<hbm>> -> memref<128x128xf32, #tpu.memory_space<hbm>>
        %dma_wait3A_148 = arith.constant 0 : i32
        %dma_wait3A_149 = tpu.memref_slice %arg4[%add3A_145, %dma_wait3A_148] : memref<294912x128xf32, #tpu.memory_space<hbm>> -> memref<128x128xf32, #tpu.memory_space<hbm>>
        tpu.wait_dma2 semaphore(%arg17 : memref<!tpu.dma_semaphore, #tpu.memory_space<semaphore_mem>>) src(%arg9 : memref<128x128xf32, #tpu.memory_space<vmem>>) dst(%dma_wait3A_149 : memref<128x128xf32, #tpu.memory_space<hbm>>)
      } else {
      }
      %add3A_40 = arith.constant 4 : i32
      %add3A_41 = arith.addi %add3A_31, %add3A_40 : i32
      %sub3A = arith.constant 1 : i32
      %sub3A_42 = arith.subi %add3A_41, %sub3A : i32
      %lt3A = arith.constant 72 : i32
      %lt3A_43 = arith.cmpi slt, %sub3A_42, %lt3A : i32
      %convert_element_type3A_44 = arith.extui %lt3A_43 : i1 to i32
      %cond3A_45 = arith.constant 0 : i32
      %cond3A_46 = arith.cmpi ne, %convert_element_type3A_44, %cond3A_45 : i32
      scf.if %cond3A_46 {
        %add3A_141 = arith.constant 4 : i32
        %add3A_142 = arith.addi %add3A_31, %add3A_141 : i32
        %sub3A_143 = arith.constant 1 : i32
        %sub3A_144 = arith.subi %add3A_142, %sub3A_143 : i32
        %mul3A_145 = arith.constant 128 : i32
        %mul3A_146 = arith.muli %sub3A_144, %mul3A_145 : i32
        %dma_start3A_147 = tpu.memref_slice %arg5[%mul3A_146] : memref<9216xi32, #tpu.memory_space<vmem>> -> memref<128xi32, #tpu.memory_space<vmem>>
        %dma_start3A_148 = arith.constant 0 : i32
        %dma_start3A_149 = arith.constant 0 : i32
        %dma_start3A_150 = tpu.memref_slice %arg2[%dma_start3A_148, %dma_start3A_149] : memref<8192x128xf32, #tpu.memory_space<hbm>> -> memref<8192x128xf32, #tpu.memory_space<hbm>>
        tpu.enqueue_indirect_dma source(%dma_start3A_150 : memref<8192x128xf32, #tpu.memory_space<hbm>>) target(%arg9 : memref<128x128xf32, #tpu.memory_space<vmem>>) offsets(%dma_start3A_147 : memref<128xi32, #tpu.memory_space<vmem>>) semaphore(%arg13 : memref<!tpu.dma_semaphore, #tpu.memory_space<semaphore_mem>>)
      } else {
      }
      %mul3A_47 = arith.constant 128 : i32
      %mul3A_48 = arith.muli %add3A_31, %mul3A_47 : i32
      %add3A_49 = arith.addi %mul3A_2, %mul3A_48 : i32
      %dma_start3A_50 = arith.constant 0 : i32
      %dma_start3A_51 = tpu.memref_slice %arg4[%add3A_49, %dma_start3A_50] : memref<294912x128xf32, #tpu.memory_space<hbm>> -> memref<128x128xf32, #tpu.memory_space<hbm>>
      %dma_start3A_52 = arith.constant 0 : i32
      %dma_start3A_53 = tpu.memref_slice %arg4[%add3A_49, %dma_start3A_52] : memref<294912x128xf32, #tpu.memory_space<hbm>> -> memref<128x128xf32, #tpu.memory_space<hbm>>
      tpu.enqueue_dma source(%arg6 : memref<128x128xf32, #tpu.memory_space<vmem>>) target(%dma_start3A_53 : memref<128x128xf32, #tpu.memory_space<hbm>>) target_semaphore(%arg14 : memref<!tpu.dma_semaphore, #tpu.memory_space<semaphore_mem>>)
      %add3A_54 = arith.constant 1 : i32
      %add3A_55 = arith.addi %mul3A_29, %add3A_54 : i32
      %mul3A_56 = arith.constant 128 : i32
      %mul3A_57 = arith.muli %add3A_55, %mul3A_56 : i32
      %dma_wait3A_58 = tpu.memref_slice %arg5[%mul3A_57] : memref<9216xi32, #tpu.memory_space<vmem>> -> memref<128xi32, #tpu.memory_space<vmem>>
      %dma_wait3A_59 = arith.constant 0 : i32
      %dma_wait3A_60 = arith.constant 0 : i32
      %dma_wait3A_61 = tpu.memref_slice %arg2[%dma_wait3A_59, %dma_wait3A_60] : memref<8192x128xf32, #tpu.memory_space<hbm>> -> memref<8192x128xf32, #tpu.memory_space<hbm>>
      tpu.wait_indirect_dma semaphore(%arg11 : memref<!tpu.dma_semaphore, #tpu.memory_space<semaphore_mem>>) src(%dma_wait3A_61 : memref<8192x128xf32, #tpu.memory_space<hbm>>) dst(%arg7 : memref<128x128xf32, #tpu.memory_space<vmem>>)
      %ge3A_62 = arith.constant 1 : i32
      %ge3A_63 = arith.cmpi sge, %add3A_55, %ge3A_62 : i32
      %convert_element_type3A_64 = arith.extui %ge3A_63 : i1 to i32
      %cond3A_65 = arith.constant 0 : i32
      %cond3A_66 = arith.cmpi ne, %convert_element_type3A_64, %cond3A_65 : i32
      scf.if %cond3A_66 {
        %sub3A_141 = arith.constant 1 : i32
        %sub3A_142 = arith.subi %add3A_55, %sub3A_141 : i32
        %mul3A_143 = arith.constant 128 : i32
        %mul3A_144 = arith.muli %sub3A_142, %mul3A_143 : i32
        %add3A_145 = arith.addi %mul3A_2, %mul3A_144 : i32
        %dma_wait3A_146 = arith.constant 0 : i32
        %dma_wait3A_147 = tpu.memref_slice %arg4[%add3A_145, %dma_wait3A_146] : memref<294912x128xf32, #tpu.memory_space<hbm>> -> memref<128x128xf32, #tpu.memory_space<hbm>>
        %dma_wait3A_148 = arith.constant 0 : i32
        %dma_wait3A_149 = tpu.memref_slice %arg4[%add3A_145, %dma_wait3A_148] : memref<294912x128xf32, #tpu.memory_space<hbm>> -> memref<128x128xf32, #tpu.memory_space<hbm>>
        tpu.wait_dma2 semaphore(%arg14 : memref<!tpu.dma_semaphore, #tpu.memory_space<semaphore_mem>>) src(%arg6 : memref<128x128xf32, #tpu.memory_space<vmem>>) dst(%dma_wait3A_149 : memref<128x128xf32, #tpu.memory_space<hbm>>)
      } else {
      }
      %add3A_67 = arith.constant 4 : i32
      %add3A_68 = arith.addi %add3A_55, %add3A_67 : i32
      %sub3A_69 = arith.constant 1 : i32
      %sub3A_70 = arith.subi %add3A_68, %sub3A_69 : i32
      %lt3A_71 = arith.constant 72 : i32
      %lt3A_72 = arith.cmpi slt, %sub3A_70, %lt3A_71 : i32
      %convert_element_type3A_73 = arith.extui %lt3A_72 : i1 to i32
      %cond3A_74 = arith.constant 0 : i32
      %cond3A_75 = arith.cmpi ne, %convert_element_type3A_73, %cond3A_74 : i32
      scf.if %cond3A_75 {
        %add3A_141 = arith.constant 4 : i32
        %add3A_142 = arith.addi %add3A_55, %add3A_141 : i32
        %sub3A_143 = arith.constant 1 : i32
        %sub3A_144 = arith.subi %add3A_142, %sub3A_143 : i32
        %mul3A_145 = arith.constant 128 : i32
        %mul3A_146 = arith.muli %sub3A_144, %mul3A_145 : i32
        %dma_start3A_147 = tpu.memref_slice %arg5[%mul3A_146] : memref<9216xi32, #tpu.memory_space<vmem>> -> memref<128xi32, #tpu.memory_space<vmem>>
        %dma_start3A_148 = arith.constant 0 : i32
        %dma_start3A_149 = arith.constant 0 : i32
        %dma_start3A_150 = tpu.memref_slice %arg2[%dma_start3A_148, %dma_start3A_149] : memref<8192x128xf32, #tpu.memory_space<hbm>> -> memref<8192x128xf32, #tpu.memory_space<hbm>>
        tpu.enqueue_indirect_dma source(%dma_start3A_150 : memref<8192x128xf32, #tpu.memory_space<hbm>>) target(%arg6 : memref<128x128xf32, #tpu.memory_space<vmem>>) offsets(%dma_start3A_147 : memref<128xi32, #tpu.memory_space<vmem>>) semaphore(%arg10 : memref<!tpu.dma_semaphore, #tpu.memory_space<semaphore_mem>>)
      } else {
      }
      %mul3A_76 = arith.constant 128 : i32
      %mul3A_77 = arith.muli %add3A_55, %mul3A_76 : i32
      %add3A_78 = arith.addi %mul3A_2, %mul3A_77 : i32
      %dma_start3A_79 = arith.constant 0 : i32
      %dma_start3A_80 = tpu.memref_slice %arg4[%add3A_78, %dma_start3A_79] : memref<294912x128xf32, #tpu.memory_space<hbm>> -> memref<128x128xf32, #tpu.memory_space<hbm>>
      %dma_start3A_81 = arith.constant 0 : i32
      %dma_start3A_82 = tpu.memref_slice %arg4[%add3A_78, %dma_start3A_81] : memref<294912x128xf32, #tpu.memory_space<hbm>> -> memref<128x128xf32, #tpu.memory_space<hbm>>
      tpu.enqueue_dma source(%arg7 : memref<128x128xf32, #tpu.memory_space<vmem>>) target(%dma_start3A_82 : memref<128x128xf32, #tpu.memory_space<hbm>>) target_semaphore(%arg15 : memref<!tpu.dma_semaphore, #tpu.memory_space<semaphore_mem>>)
      %add3A_83 = arith.constant 2 : i32
      %add3A_84 = arith.addi %mul3A_29, %add3A_83 : i32
      %mul3A_85 = arith.constant 128 : i32
      %mul3A_86 = arith.muli %add3A_84, %mul3A_85 : i32
      %dma_wait3A_87 = tpu.memref_slice %arg5[%mul3A_86] : memref<9216xi32, #tpu.memory_space<vmem>> -> memref<128xi32, #tpu.memory_space<vmem>>
      %dma_wait3A_88 = arith.constant 0 : i32
      %dma_wait3A_89 = arith.constant 0 : i32
      %dma_wait3A_90 = tpu.memref_slice %arg2[%dma_wait3A_88, %dma_wait3A_89] : memref<8192x128xf32, #tpu.memory_space<hbm>> -> memref<8192x128xf32, #tpu.memory_space<hbm>>
      tpu.wait_indirect_dma semaphore(%arg12 : memref<!tpu.dma_semaphore, #tpu.memory_space<semaphore_mem>>) src(%dma_wait3A_90 : memref<8192x128xf32, #tpu.memory_space<hbm>>) dst(%arg8 : memref<128x128xf32, #tpu.memory_space<vmem>>)
      %ge3A_91 = arith.constant 1 : i32
      %ge3A_92 = arith.cmpi sge, %add3A_84, %ge3A_91 : i32
      %convert_element_type3A_93 = arith.extui %ge3A_92 : i1 to i32
      %cond3A_94 = arith.constant 0 : i32
      %cond3A_95 = arith.cmpi ne, %convert_element_type3A_93, %cond3A_94 : i32
      scf.if %cond3A_95 {
        %sub3A_141 = arith.constant 1 : i32
        %sub3A_142 = arith.subi %add3A_84, %sub3A_141 : i32
        %mul3A_143 = arith.constant 128 : i32
        %mul3A_144 = arith.muli %sub3A_142, %mul3A_143 : i32
        %add3A_145 = arith.addi %mul3A_2, %mul3A_144 : i32
        %dma_wait3A_146 = arith.constant 0 : i32
        %dma_wait3A_147 = tpu.memref_slice %arg4[%add3A_145, %dma_wait3A_146] : memref<294912x128xf32, #tpu.memory_space<hbm>> -> memref<128x128xf32, #tpu.memory_space<hbm>>
        %dma_wait3A_148 = arith.constant 0 : i32
        %dma_wait3A_149 = tpu.memref_slice %arg4[%add3A_145, %dma_wait3A_148] : memref<294912x128xf32, #tpu.memory_space<hbm>> -> memref<128x128xf32, #tpu.memory_space<hbm>>
        tpu.wait_dma2 semaphore(%arg15 : memref<!tpu.dma_semaphore, #tpu.memory_space<semaphore_mem>>) src(%arg7 : memref<128x128xf32, #tpu.memory_space<vmem>>) dst(%dma_wait3A_149 : memref<128x128xf32, #tpu.memory_space<hbm>>)
      } else {
      }
      %add3A_96 = arith.constant 4 : i32
      %add3A_97 = arith.addi %add3A_84, %add3A_96 : i32
      %sub3A_98 = arith.constant 1 : i32
      %sub3A_99 = arith.subi %add3A_97, %sub3A_98 : i32
      %lt3A_100 = arith.constant 72 : i32
      %lt3A_101 = arith.cmpi slt, %sub3A_99, %lt3A_100 : i32
      %convert_element_type3A_102 = arith.extui %lt3A_101 : i1 to i32
      %cond3A_103 = arith.constant 0 : i32
      %cond3A_104 = arith.cmpi ne, %convert_element_type3A_102, %cond3A_103 : i32
      scf.if %cond3A_104 {
        %add3A_141 = arith.constant 4 : i32
        %add3A_142 = arith.addi %add3A_84, %add3A_141 : i32
        %sub3A_143 = arith.constant 1 : i32
        %sub3A_144 = arith.subi %add3A_142, %sub3A_143 : i32
        %mul3A_145 = arith.constant 128 : i32
        %mul3A_146 = arith.muli %sub3A_144, %mul3A_145 : i32
        %dma_start3A_147 = tpu.memref_slice %arg5[%mul3A_146] : memref<9216xi32, #tpu.memory_space<vmem>> -> memref<128xi32, #tpu.memory_space<vmem>>
        %dma_start3A_148 = arith.constant 0 : i32
        %dma_start3A_149 = arith.constant 0 : i32
        %dma_start3A_150 = tpu.memref_slice %arg2[%dma_start3A_148, %dma_start3A_149] : memref<8192x128xf32, #tpu.memory_space<hbm>> -> memref<8192x128xf32, #tpu.memory_space<hbm>>
        tpu.enqueue_indirect_dma source(%dma_start3A_150 : memref<8192x128xf32, #tpu.memory_space<hbm>>) target(%arg7 : memref<128x128xf32, #tpu.memory_space<vmem>>) offsets(%dma_start3A_147 : memref<128xi32, #tpu.memory_space<vmem>>) semaphore(%arg11 : memref<!tpu.dma_semaphore, #tpu.memory_space<semaphore_mem>>)
      } else {
      }
      %mul3A_105 = arith.constant 128 : i32
      %mul3A_106 = arith.muli %add3A_84, %mul3A_105 : i32
      %add3A_107 = arith.addi %mul3A_2, %mul3A_106 : i32
      %dma_start3A_108 = arith.constant 0 : i32
      %dma_start3A_109 = tpu.memref_slice %arg4[%add3A_107, %dma_start3A_108] : memref<294912x128xf32, #tpu.memory_space<hbm>> -> memref<128x128xf32, #tpu.memory_space<hbm>>
      %dma_start3A_110 = arith.constant 0 : i32
      %dma_start3A_111 = tpu.memref_slice %arg4[%add3A_107, %dma_start3A_110] : memref<294912x128xf32, #tpu.memory_space<hbm>> -> memref<128x128xf32, #tpu.memory_space<hbm>>
      tpu.enqueue_dma source(%arg8 : memref<128x128xf32, #tpu.memory_space<vmem>>) target(%dma_start3A_111 : memref<128x128xf32, #tpu.memory_space<hbm>>) target_semaphore(%arg16 : memref<!tpu.dma_semaphore, #tpu.memory_space<semaphore_mem>>)
      %add3A_112 = arith.constant 3 : i32
      %add3A_113 = arith.addi %mul3A_29, %add3A_112 : i32
      %mul3A_114 = arith.constant 128 : i32
      %mul3A_115 = arith.muli %add3A_113, %mul3A_114 : i32
      %dma_wait3A_116 = tpu.memref_slice %arg5[%mul3A_115] : memref<9216xi32, #tpu.memory_space<vmem>> -> memref<128xi32, #tpu.memory_space<vmem>>
      %dma_wait3A_117 = arith.constant 0 : i32
      %dma_wait3A_118 = arith.constant 0 : i32
      %dma_wait3A_119 = tpu.memref_slice %arg2[%dma_wait3A_117, %dma_wait3A_118] : memref<8192x128xf32, #tpu.memory_space<hbm>> -> memref<8192x128xf32, #tpu.memory_space<hbm>>
      tpu.wait_indirect_dma semaphore(%arg13 : memref<!tpu.dma_semaphore, #tpu.memory_space<semaphore_mem>>) src(%dma_wait3A_119 : memref<8192x128xf32, #tpu.memory_space<hbm>>) dst(%arg9 : memref<128x128xf32, #tpu.memory_space<vmem>>)
      %ge3A_120 = arith.constant 1 : i32
      %ge3A_121 = arith.cmpi sge, %add3A_113, %ge3A_120 : i32
      %convert_element_type3A_122 = arith.extui %ge3A_121 : i1 to i32
      %cond3A_123 = arith.constant 0 : i32
      %cond3A_124 = arith.cmpi ne, %convert_element_type3A_122, %cond3A_123 : i32
      scf.if %cond3A_124 {
        %sub3A_141 = arith.constant 1 : i32
        %sub3A_142 = arith.subi %add3A_113, %sub3A_141 : i32
        %mul3A_143 = arith.constant 128 : i32
        %mul3A_144 = arith.muli %sub3A_142, %mul3A_143 : i32
        %add3A_145 = arith.addi %mul3A_2, %mul3A_144 : i32
        %dma_wait3A_146 = arith.constant 0 : i32
        %dma_wait3A_147 = tpu.memref_slice %arg4[%add3A_145, %dma_wait3A_146] : memref<294912x128xf32, #tpu.memory_space<hbm>> -> memref<128x128xf32, #tpu.memory_space<hbm>>
        %dma_wait3A_148 = arith.constant 0 : i32
        %dma_wait3A_149 = tpu.memref_slice %arg4[%add3A_145, %dma_wait3A_148] : memref<294912x128xf32, #tpu.memory_space<hbm>> -> memref<128x128xf32, #tpu.memory_space<hbm>>
        tpu.wait_dma2 semaphore(%arg16 : memref<!tpu.dma_semaphore, #tpu.memory_space<semaphore_mem>>) src(%arg8 : memref<128x128xf32, #tpu.memory_space<vmem>>) dst(%dma_wait3A_149 : memref<128x128xf32, #tpu.memory_space<hbm>>)
      } else {
      }
      %add3A_125 = arith.constant 4 : i32
      %add3A_126 = arith.addi %add3A_113, %add3A_125 : i32
      %sub3A_127 = arith.constant 1 : i32
      %sub3A_128 = arith.subi %add3A_126, %sub3A_127 : i32
      %lt3A_129 = arith.constant 72 : i32
      %lt3A_130 = arith.cmpi slt, %sub3A_128, %lt3A_129 : i32
      %convert_element_type3A_131 = arith.extui %lt3A_130 : i1 to i32
      %cond3A_132 = arith.constant 0 : i32
      %cond3A_133 = arith.cmpi ne, %convert_element_type3A_131, %cond3A_132 : i32
      scf.if %cond3A_133 {
        %add3A_141 = arith.constant 4 : i32
        %add3A_142 = arith.addi %add3A_113, %add3A_141 : i32
        %sub3A_143 = arith.constant 1 : i32
        %sub3A_144 = arith.subi %add3A_142, %sub3A_143 : i32
        %mul3A_145 = arith.constant 128 : i32
        %mul3A_146 = arith.muli %sub3A_144, %mul3A_145 : i32
        %dma_start3A_147 = tpu.memref_slice %arg5[%mul3A_146] : memref<9216xi32, #tpu.memory_space<vmem>> -> memref<128xi32, #tpu.memory_space<vmem>>
        %dma_start3A_148 = arith.constant 0 : i32
        %dma_start3A_149 = arith.constant 0 : i32
        %dma_start3A_150 = tpu.memref_slice %arg2[%dma_start3A_148, %dma_start3A_149] : memref<8192x128xf32, #tpu.memory_space<hbm>> -> memref<8192x128xf32, #tpu.memory_space<hbm>>
        tpu.enqueue_indirect_dma source(%dma_start3A_150 : memref<8192x128xf32, #tpu.memory_space<hbm>>) target(%arg8 : memref<128x128xf32, #tpu.memory_space<vmem>>) offsets(%dma_start3A_147 : memref<128xi32, #tpu.memory_space<vmem>>) semaphore(%arg12 : memref<!tpu.dma_semaphore, #tpu.memory_space<semaphore_mem>>)
      } else {
      }
      %mul3A_134 = arith.constant 128 : i32
      %mul3A_135 = arith.muli %add3A_113, %mul3A_134 : i32
      %add3A_136 = arith.addi %mul3A_2, %mul3A_135 : i32
      %dma_start3A_137 = arith.constant 0 : i32
      %dma_start3A_138 = tpu.memref_slice %arg4[%add3A_136, %dma_start3A_137] : memref<294912x128xf32, #tpu.memory_space<hbm>> -> memref<128x128xf32, #tpu.memory_space<hbm>>
      %dma_start3A_139 = arith.constant 0 : i32
      %dma_start3A_140 = tpu.memref_slice %arg4[%add3A_136, %dma_start3A_139] : memref<294912x128xf32, #tpu.memory_space<hbm>> -> memref<128x128xf32, #tpu.memory_space<hbm>>
      tpu.enqueue_dma source(%arg9 : memref<128x128xf32, #tpu.memory_space<vmem>>) target(%dma_start3A_140 : memref<128x128xf32, #tpu.memory_space<hbm>>) target_semaphore(%arg17 : memref<!tpu.dma_semaphore, #tpu.memory_space<semaphore_mem>>)
    }
    %scan3A_21 = arith.constant 18 : i32
    %add3A_22 = arith.constant 9088 : i32
    %add3A_23 = arith.addi %mul3A_2, %add3A_22 : i32
    %dma_wait3A = arith.constant 0 : i32
    %dma_wait3A_24 = tpu.memref_slice %arg4[%add3A_23, %dma_wait3A] : memref<294912x128xf32, #tpu.memory_space<hbm>> -> memref<128x128xf32, #tpu.memory_space<hbm>>
    %dma_wait3A_25 = arith.constant 0 : i32
    %dma_wait3A_26 = tpu.memref_slice %arg4[%add3A_23, %dma_wait3A_25] : memref<294912x128xf32, #tpu.memory_space<hbm>> -> memref<128x128xf32, #tpu.memory_space<hbm>>
    tpu.wait_dma2 semaphore(%arg17 : memref<!tpu.dma_semaphore, #tpu.memory_space<semaphore_mem>>) src(%arg9 : memref<128x128xf32, #tpu.memory_space<vmem>>) dst(%dma_wait3A_26 : memref<128x128xf32, #tpu.memory_space<hbm>>)
    return
  }
}

module attributes {stable_mosaic.version = 14 : i64} {
  func.func @_knn_body(%arg0: i32, %arg1: i32, %arg2: memref<1x256x8xf32, #tpu.memory_space<vmem>>, %arg3: memref<1x8x4096xf32, #tpu.memory_space<vmem>>, %arg4: memref<1x256x36xi32, #tpu.memory_space<vmem>>) attributes {dimension_semantics = [#tpu.dimension_semantics<arbitrary>, #tpu.dimension_semantics<arbitrary>], iteration_bounds = array<i64: 2, 16>, scalar_prefetch = 0 : i64, scratch_operands = 0 : i64, tpu.core_type = #tpu.core_type<tc>, window_params = [{transform_indices = @transform_0, window_bounds = array<i64: 1, 256, 8>}, {transform_indices = @transform_1, window_bounds = array<i64: 1, 8, 4096>}, {transform_indices = @transform_2, window_bounds = array<i64: 1, 256, 36>}]} {
    %get3A = arith.constant 0 : index
    %get3A_0 = arith.constant 0 : index
    %get3A_1 = arith.constant 0 : index
    %get3A_2 = vector.load %arg2[%get3A, %get3A_0, %get3A_1] : memref<1x256x8xf32, #tpu.memory_space<vmem>>, vector<1x256x8xf32>
    %get3A_3 = vector.shape_cast %get3A_2 : vector<1x256x8xf32> to vector<256x8xf32>
    %get3A_4 = arith.constant 0 : index
    %get3A_5 = arith.constant 0 : index
    %get3A_6 = arith.constant 0 : index
    %get3A_7 = vector.load %arg3[%get3A_4, %get3A_5, %get3A_6] : memref<1x8x4096xf32, #tpu.memory_space<vmem>>, vector<1x8x4096xf32>
    %get3A_8 = vector.shape_cast %get3A_7 : vector<1x8x4096xf32> to vector<8x4096xf32>
    %mul3A = arith.mulf %get3A_3, %get3A_3 : vector<256x8xf32>
    %reduce_sum3A = arith.constant dense<0.000000e+00> : vector<256xf32>
    %reduce_sum3A_9 = vector.multi_reduction <add>, %mul3A, %reduce_sum3A [1] : vector<256x8xf32> to vector<256xf32>
    %broadcast_in_dim3A = vector.shape_cast %reduce_sum3A_9 : vector<256xf32> to vector<256x1xf32>
    %mul3A_10 = arith.mulf %get3A_8, %get3A_8 : vector<8x4096xf32>
    %reduce_sum3A_11 = arith.constant dense<0.000000e+00> : vector<4096xf32>
    %reduce_sum3A_12 = vector.multi_reduction <add>, %mul3A_10, %reduce_sum3A_11 [0] : vector<8x4096xf32> to vector<4096xf32>
    %broadcast_in_dim3A_13 = vector.shape_cast %reduce_sum3A_12 : vector<4096xf32> to vector<1x4096xf32>
    %convert_element_type3A = arith.truncf %get3A_3 : vector<256x8xf32> to vector<256x8xbf16>
    %convert_element_type3A_14 = arith.truncf %get3A_8 : vector<8x4096xf32> to vector<8x4096xbf16>
    %dot_general3A = arith.constant dense<0.000000e+00> : vector<256x4096xf32>
    %dot_general3A_15 = tpu.matmul %convert_element_type3A, %convert_element_type3A_14, %dot_general3A {dimension_numbers = #tpu.dot_dimension_numbers<[1], [0], [0], [1], [0, 0, 1, 1], [], []>, transpose_lhs_hint = false} : vector<256x8xbf16>, vector<8x4096xbf16>, vector<256x4096xf32> -> vector<256x4096xf32>
    %add3A = vector.broadcast %broadcast_in_dim3A : vector<256x1xf32> to vector<256x4096xf32>
    %add3A_16 = vector.broadcast %broadcast_in_dim3A_13 : vector<1x4096xf32> to vector<256x4096xf32>
    %add3A_17 = arith.addf %add3A, %add3A_16 : vector<256x4096xf32>
    %mul3A_18 = arith.constant 2.000000e+00 : f32
    %mul3A_19 = vector.broadcast %mul3A_18 : f32 to vector<256x4096xf32>
    %mul3A_20 = arith.mulf %mul3A_19, %dot_general3A_15 : vector<256x4096xf32>
    %sub3A = arith.subf %add3A_17, %mul3A_20 : vector<256x4096xf32>
    %iota3A = tpu.iota {dimensions = array<i32: 1>} : vector<256x4096xi32>
    %convert_element_type3A_21 = arith.sitofp %iota3A : vector<256x4096xi32> to vector<256x4096xf32>
    %reduce_min3A = arith.constant dense<0x7F800000> : vector<256xf32>
    %reduce_min3A_22 = vector.multi_reduction <minimumf>, %sub3A, %reduce_min3A [1] : vector<256x4096xf32> to vector<256xf32>
    %broadcast_in_dim3A_23 = vector.shape_cast %reduce_min3A_22 : vector<256xf32> to vector<256x1xf32>
    %le3A = vector.broadcast %broadcast_in_dim3A_23 : vector<256x1xf32> to vector<256x4096xf32>
    %le3A_24 = arith.cmpf ole, %sub3A, %le3A : vector<256x4096xf32>
    %jit3A = arith.constant 1.000000e+09 : f32
    %broadcast_in_dim3A_25 = vector.broadcast %jit3A : f32 to vector<256x4096xf32>
    %select_n3A = arith.select %le3A_24, %convert_element_type3A_21, %broadcast_in_dim3A_25 : vector<256x4096xi1>, vector<256x4096xf32>
    %reduce_min3A_26 = arith.constant dense<0x7F800000> : vector<256xf32>
    %reduce_min3A_27 = vector.multi_reduction <minimumf>, %select_n3A, %reduce_min3A_26 [1] : vector<256x4096xf32> to vector<256xf32>
    %broadcast_in_dim3A_28 = vector.shape_cast %reduce_min3A_27 : vector<256xf32> to vector<256x1xf32>
    %eq3A = vector.broadcast %broadcast_in_dim3A_28 : vector<256x1xf32> to vector<256x4096xf32>
    %eq3A_29 = arith.cmpf oeq, %select_n3A, %eq3A : vector<256x4096xf32>
    %jit3A_30 = arith.constant 0x7F800000 : f32
    %broadcast_in_dim3A_31 = vector.broadcast %jit3A_30 : f32 to vector<256x4096xf32>
    %select_n3A_32 = arith.select %eq3A_29, %broadcast_in_dim3A_31, %sub3A : vector<256x4096xi1>, vector<256x4096xf32>
    %reduce_min3A_33 = arith.constant dense<0x7F800000> : vector<256xf32>
    %reduce_min3A_34 = vector.multi_reduction <minimumf>, %select_n3A_32, %reduce_min3A_33 [1] : vector<256x4096xf32> to vector<256xf32>
    %broadcast_in_dim3A_35 = vector.shape_cast %reduce_min3A_34 : vector<256xf32> to vector<256x1xf32>
    %le3A_36 = vector.broadcast %broadcast_in_dim3A_35 : vector<256x1xf32> to vector<256x4096xf32>
    %le3A_37 = arith.cmpf ole, %select_n3A_32, %le3A_36 : vector<256x4096xf32>
    %jit3A_38 = arith.constant 1.000000e+09 : f32
    %broadcast_in_dim3A_39 = vector.broadcast %jit3A_38 : f32 to vector<256x4096xf32>
    %select_n3A_40 = arith.select %le3A_37, %convert_element_type3A_21, %broadcast_in_dim3A_39 : vector<256x4096xi1>, vector<256x4096xf32>
    %reduce_min3A_41 = arith.constant dense<0x7F800000> : vector<256xf32>
    %reduce_min3A_42 = vector.multi_reduction <minimumf>, %select_n3A_40, %reduce_min3A_41 [1] : vector<256x4096xf32> to vector<256xf32>
    %broadcast_in_dim3A_43 = vector.shape_cast %reduce_min3A_42 : vector<256xf32> to vector<256x1xf32>
    %eq3A_44 = vector.broadcast %broadcast_in_dim3A_43 : vector<256x1xf32> to vector<256x4096xf32>
    %eq3A_45 = arith.cmpf oeq, %select_n3A_40, %eq3A_44 : vector<256x4096xf32>
    %jit3A_46 = arith.constant 0x7F800000 : f32
    %broadcast_in_dim3A_47 = vector.broadcast %jit3A_46 : f32 to vector<256x4096xf32>
    %select_n3A_48 = arith.select %eq3A_45, %broadcast_in_dim3A_47, %select_n3A_32 : vector<256x4096xi1>, vector<256x4096xf32>
    %reduce_min3A_49 = arith.constant dense<0x7F800000> : vector<256xf32>
    %reduce_min3A_50 = vector.multi_reduction <minimumf>, %select_n3A_48, %reduce_min3A_49 [1] : vector<256x4096xf32> to vector<256xf32>
    %broadcast_in_dim3A_51 = vector.shape_cast %reduce_min3A_50 : vector<256xf32> to vector<256x1xf32>
    %le3A_52 = vector.broadcast %broadcast_in_dim3A_51 : vector<256x1xf32> to vector<256x4096xf32>
    %le3A_53 = arith.cmpf ole, %select_n3A_48, %le3A_52 : vector<256x4096xf32>
    %jit3A_54 = arith.constant 1.000000e+09 : f32
    %broadcast_in_dim3A_55 = vector.broadcast %jit3A_54 : f32 to vector<256x4096xf32>
    %select_n3A_56 = arith.select %le3A_53, %convert_element_type3A_21, %broadcast_in_dim3A_55 : vector<256x4096xi1>, vector<256x4096xf32>
    %reduce_min3A_57 = arith.constant dense<0x7F800000> : vector<256xf32>
    %reduce_min3A_58 = vector.multi_reduction <minimumf>, %select_n3A_56, %reduce_min3A_57 [1] : vector<256x4096xf32> to vector<256xf32>
    %broadcast_in_dim3A_59 = vector.shape_cast %reduce_min3A_58 : vector<256xf32> to vector<256x1xf32>
    %eq3A_60 = vector.broadcast %broadcast_in_dim3A_59 : vector<256x1xf32> to vector<256x4096xf32>
    %eq3A_61 = arith.cmpf oeq, %select_n3A_56, %eq3A_60 : vector<256x4096xf32>
    %jit3A_62 = arith.constant 0x7F800000 : f32
    %broadcast_in_dim3A_63 = vector.broadcast %jit3A_62 : f32 to vector<256x4096xf32>
    %select_n3A_64 = arith.select %eq3A_61, %broadcast_in_dim3A_63, %select_n3A_48 : vector<256x4096xi1>, vector<256x4096xf32>
    %reduce_min3A_65 = arith.constant dense<0x7F800000> : vector<256xf32>
    %reduce_min3A_66 = vector.multi_reduction <minimumf>, %select_n3A_64, %reduce_min3A_65 [1] : vector<256x4096xf32> to vector<256xf32>
    %broadcast_in_dim3A_67 = vector.shape_cast %reduce_min3A_66 : vector<256xf32> to vector<256x1xf32>
    %le3A_68 = vector.broadcast %broadcast_in_dim3A_67 : vector<256x1xf32> to vector<256x4096xf32>
    %le3A_69 = arith.cmpf ole, %select_n3A_64, %le3A_68 : vector<256x4096xf32>
    %jit3A_70 = arith.constant 1.000000e+09 : f32
    %broadcast_in_dim3A_71 = vector.broadcast %jit3A_70 : f32 to vector<256x4096xf32>
    %select_n3A_72 = arith.select %le3A_69, %convert_element_type3A_21, %broadcast_in_dim3A_71 : vector<256x4096xi1>, vector<256x4096xf32>
    %reduce_min3A_73 = arith.constant dense<0x7F800000> : vector<256xf32>
    %reduce_min3A_74 = vector.multi_reduction <minimumf>, %select_n3A_72, %reduce_min3A_73 [1] : vector<256x4096xf32> to vector<256xf32>
    %broadcast_in_dim3A_75 = vector.shape_cast %reduce_min3A_74 : vector<256xf32> to vector<256x1xf32>
    %eq3A_76 = vector.broadcast %broadcast_in_dim3A_75 : vector<256x1xf32> to vector<256x4096xf32>
    %eq3A_77 = arith.cmpf oeq, %select_n3A_72, %eq3A_76 : vector<256x4096xf32>
    %jit3A_78 = arith.constant 0x7F800000 : f32
    %broadcast_in_dim3A_79 = vector.broadcast %jit3A_78 : f32 to vector<256x4096xf32>
    %select_n3A_80 = arith.select %eq3A_77, %broadcast_in_dim3A_79, %select_n3A_64 : vector<256x4096xi1>, vector<256x4096xf32>
    %reduce_min3A_81 = arith.constant dense<0x7F800000> : vector<256xf32>
    %reduce_min3A_82 = vector.multi_reduction <minimumf>, %select_n3A_80, %reduce_min3A_81 [1] : vector<256x4096xf32> to vector<256xf32>
    %broadcast_in_dim3A_83 = vector.shape_cast %reduce_min3A_82 : vector<256xf32> to vector<256x1xf32>
    %le3A_84 = vector.broadcast %broadcast_in_dim3A_83 : vector<256x1xf32> to vector<256x4096xf32>
    %le3A_85 = arith.cmpf ole, %select_n3A_80, %le3A_84 : vector<256x4096xf32>
    %jit3A_86 = arith.constant 1.000000e+09 : f32
    %broadcast_in_dim3A_87 = vector.broadcast %jit3A_86 : f32 to vector<256x4096xf32>
    %select_n3A_88 = arith.select %le3A_85, %convert_element_type3A_21, %broadcast_in_dim3A_87 : vector<256x4096xi1>, vector<256x4096xf32>
    %reduce_min3A_89 = arith.constant dense<0x7F800000> : vector<256xf32>
    %reduce_min3A_90 = vector.multi_reduction <minimumf>, %select_n3A_88, %reduce_min3A_89 [1] : vector<256x4096xf32> to vector<256xf32>
    %broadcast_in_dim3A_91 = vector.shape_cast %reduce_min3A_90 : vector<256xf32> to vector<256x1xf32>
    %eq3A_92 = vector.broadcast %broadcast_in_dim3A_91 : vector<256x1xf32> to vector<256x4096xf32>
    %eq3A_93 = arith.cmpf oeq, %select_n3A_88, %eq3A_92 : vector<256x4096xf32>
    %jit3A_94 = arith.constant 0x7F800000 : f32
    %broadcast_in_dim3A_95 = vector.broadcast %jit3A_94 : f32 to vector<256x4096xf32>
    %select_n3A_96 = arith.select %eq3A_93, %broadcast_in_dim3A_95, %select_n3A_80 : vector<256x4096xi1>, vector<256x4096xf32>
    %reduce_min3A_97 = arith.constant dense<0x7F800000> : vector<256xf32>
    %reduce_min3A_98 = vector.multi_reduction <minimumf>, %select_n3A_96, %reduce_min3A_97 [1] : vector<256x4096xf32> to vector<256xf32>
    %broadcast_in_dim3A_99 = vector.shape_cast %reduce_min3A_98 : vector<256xf32> to vector<256x1xf32>
    %le3A_100 = vector.broadcast %broadcast_in_dim3A_99 : vector<256x1xf32> to vector<256x4096xf32>
    %le3A_101 = arith.cmpf ole, %select_n3A_96, %le3A_100 : vector<256x4096xf32>
    %jit3A_102 = arith.constant 1.000000e+09 : f32
    %broadcast_in_dim3A_103 = vector.broadcast %jit3A_102 : f32 to vector<256x4096xf32>
    %select_n3A_104 = arith.select %le3A_101, %convert_element_type3A_21, %broadcast_in_dim3A_103 : vector<256x4096xi1>, vector<256x4096xf32>
    %reduce_min3A_105 = arith.constant dense<0x7F800000> : vector<256xf32>
    %reduce_min3A_106 = vector.multi_reduction <minimumf>, %select_n3A_104, %reduce_min3A_105 [1] : vector<256x4096xf32> to vector<256xf32>
    %broadcast_in_dim3A_107 = vector.shape_cast %reduce_min3A_106 : vector<256xf32> to vector<256x1xf32>
    %eq3A_108 = vector.broadcast %broadcast_in_dim3A_107 : vector<256x1xf32> to vector<256x4096xf32>
    %eq3A_109 = arith.cmpf oeq, %select_n3A_104, %eq3A_108 : vector<256x4096xf32>
    %jit3A_110 = arith.constant 0x7F800000 : f32
    %broadcast_in_dim3A_111 = vector.broadcast %jit3A_110 : f32 to vector<256x4096xf32>
    %select_n3A_112 = arith.select %eq3A_109, %broadcast_in_dim3A_111, %select_n3A_96 : vector<256x4096xi1>, vector<256x4096xf32>
    %reduce_min3A_113 = arith.constant dense<0x7F800000> : vector<256xf32>
    %reduce_min3A_114 = vector.multi_reduction <minimumf>, %select_n3A_112, %reduce_min3A_113 [1] : vector<256x4096xf32> to vector<256xf32>
    %broadcast_in_dim3A_115 = vector.shape_cast %reduce_min3A_114 : vector<256xf32> to vector<256x1xf32>
    %le3A_116 = vector.broadcast %broadcast_in_dim3A_115 : vector<256x1xf32> to vector<256x4096xf32>
    %le3A_117 = arith.cmpf ole, %select_n3A_112, %le3A_116 : vector<256x4096xf32>
    %jit3A_118 = arith.constant 1.000000e+09 : f32
    %broadcast_in_dim3A_119 = vector.broadcast %jit3A_118 : f32 to vector<256x4096xf32>
    %select_n3A_120 = arith.select %le3A_117, %convert_element_type3A_21, %broadcast_in_dim3A_119 : vector<256x4096xi1>, vector<256x4096xf32>
    %reduce_min3A_121 = arith.constant dense<0x7F800000> : vector<256xf32>
    %reduce_min3A_122 = vector.multi_reduction <minimumf>, %select_n3A_120, %reduce_min3A_121 [1] : vector<256x4096xf32> to vector<256xf32>
    %broadcast_in_dim3A_123 = vector.shape_cast %reduce_min3A_122 : vector<256xf32> to vector<256x1xf32>
    %eq3A_124 = vector.broadcast %broadcast_in_dim3A_123 : vector<256x1xf32> to vector<256x4096xf32>
    %eq3A_125 = arith.cmpf oeq, %select_n3A_120, %eq3A_124 : vector<256x4096xf32>
    %jit3A_126 = arith.constant 0x7F800000 : f32
    %broadcast_in_dim3A_127 = vector.broadcast %jit3A_126 : f32 to vector<256x4096xf32>
    %select_n3A_128 = arith.select %eq3A_125, %broadcast_in_dim3A_127, %select_n3A_112 : vector<256x4096xi1>, vector<256x4096xf32>
    %reduce_min3A_129 = arith.constant dense<0x7F800000> : vector<256xf32>
    %reduce_min3A_130 = vector.multi_reduction <minimumf>, %select_n3A_128, %reduce_min3A_129 [1] : vector<256x4096xf32> to vector<256xf32>
    %broadcast_in_dim3A_131 = vector.shape_cast %reduce_min3A_130 : vector<256xf32> to vector<256x1xf32>
    %le3A_132 = vector.broadcast %broadcast_in_dim3A_131 : vector<256x1xf32> to vector<256x4096xf32>
    %le3A_133 = arith.cmpf ole, %select_n3A_128, %le3A_132 : vector<256x4096xf32>
    %jit3A_134 = arith.constant 1.000000e+09 : f32
    %broadcast_in_dim3A_135 = vector.broadcast %jit3A_134 : f32 to vector<256x4096xf32>
    %select_n3A_136 = arith.select %le3A_133, %convert_element_type3A_21, %broadcast_in_dim3A_135 : vector<256x4096xi1>, vector<256x4096xf32>
    %reduce_min3A_137 = arith.constant dense<0x7F800000> : vector<256xf32>
    %reduce_min3A_138 = vector.multi_reduction <minimumf>, %select_n3A_136, %reduce_min3A_137 [1] : vector<256x4096xf32> to vector<256xf32>
    %broadcast_in_dim3A_139 = vector.shape_cast %reduce_min3A_138 : vector<256xf32> to vector<256x1xf32>
    %eq3A_140 = vector.broadcast %broadcast_in_dim3A_139 : vector<256x1xf32> to vector<256x4096xf32>
    %eq3A_141 = arith.cmpf oeq, %select_n3A_136, %eq3A_140 : vector<256x4096xf32>
    %jit3A_142 = arith.constant 0x7F800000 : f32
    %broadcast_in_dim3A_143 = vector.broadcast %jit3A_142 : f32 to vector<256x4096xf32>
    %select_n3A_144 = arith.select %eq3A_141, %broadcast_in_dim3A_143, %select_n3A_128 : vector<256x4096xi1>, vector<256x4096xf32>
    %reduce_min3A_145 = arith.constant dense<0x7F800000> : vector<256xf32>
    %reduce_min3A_146 = vector.multi_reduction <minimumf>, %select_n3A_144, %reduce_min3A_145 [1] : vector<256x4096xf32> to vector<256xf32>
    %broadcast_in_dim3A_147 = vector.shape_cast %reduce_min3A_146 : vector<256xf32> to vector<256x1xf32>
    %le3A_148 = vector.broadcast %broadcast_in_dim3A_147 : vector<256x1xf32> to vector<256x4096xf32>
    %le3A_149 = arith.cmpf ole, %select_n3A_144, %le3A_148 : vector<256x4096xf32>
    %jit3A_150 = arith.constant 1.000000e+09 : f32
    %broadcast_in_dim3A_151 = vector.broadcast %jit3A_150 : f32 to vector<256x4096xf32>
    %select_n3A_152 = arith.select %le3A_149, %convert_element_type3A_21, %broadcast_in_dim3A_151 : vector<256x4096xi1>, vector<256x4096xf32>
    %reduce_min3A_153 = arith.constant dense<0x7F800000> : vector<256xf32>
    %reduce_min3A_154 = vector.multi_reduction <minimumf>, %select_n3A_152, %reduce_min3A_153 [1] : vector<256x4096xf32> to vector<256xf32>
    %broadcast_in_dim3A_155 = vector.shape_cast %reduce_min3A_154 : vector<256xf32> to vector<256x1xf32>
    %eq3A_156 = vector.broadcast %broadcast_in_dim3A_155 : vector<256x1xf32> to vector<256x4096xf32>
    %eq3A_157 = arith.cmpf oeq, %select_n3A_152, %eq3A_156 : vector<256x4096xf32>
    %jit3A_158 = arith.constant 0x7F800000 : f32
    %broadcast_in_dim3A_159 = vector.broadcast %jit3A_158 : f32 to vector<256x4096xf32>
    %select_n3A_160 = arith.select %eq3A_157, %broadcast_in_dim3A_159, %select_n3A_144 : vector<256x4096xi1>, vector<256x4096xf32>
    %reduce_min3A_161 = arith.constant dense<0x7F800000> : vector<256xf32>
    %reduce_min3A_162 = vector.multi_reduction <minimumf>, %select_n3A_160, %reduce_min3A_161 [1] : vector<256x4096xf32> to vector<256xf32>
    %broadcast_in_dim3A_163 = vector.shape_cast %reduce_min3A_162 : vector<256xf32> to vector<256x1xf32>
    %le3A_164 = vector.broadcast %broadcast_in_dim3A_163 : vector<256x1xf32> to vector<256x4096xf32>
    %le3A_165 = arith.cmpf ole, %select_n3A_160, %le3A_164 : vector<256x4096xf32>
    %jit3A_166 = arith.constant 1.000000e+09 : f32
    %broadcast_in_dim3A_167 = vector.broadcast %jit3A_166 : f32 to vector<256x4096xf32>
    %select_n3A_168 = arith.select %le3A_165, %convert_element_type3A_21, %broadcast_in_dim3A_167 : vector<256x4096xi1>, vector<256x4096xf32>
    %reduce_min3A_169 = arith.constant dense<0x7F800000> : vector<256xf32>
    %reduce_min3A_170 = vector.multi_reduction <minimumf>, %select_n3A_168, %reduce_min3A_169 [1] : vector<256x4096xf32> to vector<256xf32>
    %broadcast_in_dim3A_171 = vector.shape_cast %reduce_min3A_170 : vector<256xf32> to vector<256x1xf32>
    %eq3A_172 = vector.broadcast %broadcast_in_dim3A_171 : vector<256x1xf32> to vector<256x4096xf32>
    %eq3A_173 = arith.cmpf oeq, %select_n3A_168, %eq3A_172 : vector<256x4096xf32>
    %jit3A_174 = arith.constant 0x7F800000 : f32
    %broadcast_in_dim3A_175 = vector.broadcast %jit3A_174 : f32 to vector<256x4096xf32>
    %select_n3A_176 = arith.select %eq3A_173, %broadcast_in_dim3A_175, %select_n3A_160 : vector<256x4096xi1>, vector<256x4096xf32>
    %reduce_min3A_177 = arith.constant dense<0x7F800000> : vector<256xf32>
    %reduce_min3A_178 = vector.multi_reduction <minimumf>, %select_n3A_176, %reduce_min3A_177 [1] : vector<256x4096xf32> to vector<256xf32>
    %broadcast_in_dim3A_179 = vector.shape_cast %reduce_min3A_178 : vector<256xf32> to vector<256x1xf32>
    %le3A_180 = vector.broadcast %broadcast_in_dim3A_179 : vector<256x1xf32> to vector<256x4096xf32>
    %le3A_181 = arith.cmpf ole, %select_n3A_176, %le3A_180 : vector<256x4096xf32>
    %jit3A_182 = arith.constant 1.000000e+09 : f32
    %broadcast_in_dim3A_183 = vector.broadcast %jit3A_182 : f32 to vector<256x4096xf32>
    %select_n3A_184 = arith.select %le3A_181, %convert_element_type3A_21, %broadcast_in_dim3A_183 : vector<256x4096xi1>, vector<256x4096xf32>
    %reduce_min3A_185 = arith.constant dense<0x7F800000> : vector<256xf32>
    %reduce_min3A_186 = vector.multi_reduction <minimumf>, %select_n3A_184, %reduce_min3A_185 [1] : vector<256x4096xf32> to vector<256xf32>
    %broadcast_in_dim3A_187 = vector.shape_cast %reduce_min3A_186 : vector<256xf32> to vector<256x1xf32>
    %eq3A_188 = vector.broadcast %broadcast_in_dim3A_187 : vector<256x1xf32> to vector<256x4096xf32>
    %eq3A_189 = arith.cmpf oeq, %select_n3A_184, %eq3A_188 : vector<256x4096xf32>
    %jit3A_190 = arith.constant 0x7F800000 : f32
    %broadcast_in_dim3A_191 = vector.broadcast %jit3A_190 : f32 to vector<256x4096xf32>
    %select_n3A_192 = arith.select %eq3A_189, %broadcast_in_dim3A_191, %select_n3A_176 : vector<256x4096xi1>, vector<256x4096xf32>
    %reduce_min3A_193 = arith.constant dense<0x7F800000> : vector<256xf32>
    %reduce_min3A_194 = vector.multi_reduction <minimumf>, %select_n3A_192, %reduce_min3A_193 [1] : vector<256x4096xf32> to vector<256xf32>
    %broadcast_in_dim3A_195 = vector.shape_cast %reduce_min3A_194 : vector<256xf32> to vector<256x1xf32>
    %le3A_196 = vector.broadcast %broadcast_in_dim3A_195 : vector<256x1xf32> to vector<256x4096xf32>
    %le3A_197 = arith.cmpf ole, %select_n3A_192, %le3A_196 : vector<256x4096xf32>
    %jit3A_198 = arith.constant 1.000000e+09 : f32
    %broadcast_in_dim3A_199 = vector.broadcast %jit3A_198 : f32 to vector<256x4096xf32>
    %select_n3A_200 = arith.select %le3A_197, %convert_element_type3A_21, %broadcast_in_dim3A_199 : vector<256x4096xi1>, vector<256x4096xf32>
    %reduce_min3A_201 = arith.constant dense<0x7F800000> : vector<256xf32>
    %reduce_min3A_202 = vector.multi_reduction <minimumf>, %select_n3A_200, %reduce_min3A_201 [1] : vector<256x4096xf32> to vector<256xf32>
    %broadcast_in_dim3A_203 = vector.shape_cast %reduce_min3A_202 : vector<256xf32> to vector<256x1xf32>
    %eq3A_204 = vector.broadcast %broadcast_in_dim3A_203 : vector<256x1xf32> to vector<256x4096xf32>
    %eq3A_205 = arith.cmpf oeq, %select_n3A_200, %eq3A_204 : vector<256x4096xf32>
    %jit3A_206 = arith.constant 0x7F800000 : f32
    %broadcast_in_dim3A_207 = vector.broadcast %jit3A_206 : f32 to vector<256x4096xf32>
    %select_n3A_208 = arith.select %eq3A_205, %broadcast_in_dim3A_207, %select_n3A_192 : vector<256x4096xi1>, vector<256x4096xf32>
    %reduce_min3A_209 = arith.constant dense<0x7F800000> : vector<256xf32>
    %reduce_min3A_210 = vector.multi_reduction <minimumf>, %select_n3A_208, %reduce_min3A_209 [1] : vector<256x4096xf32> to vector<256xf32>
    %broadcast_in_dim3A_211 = vector.shape_cast %reduce_min3A_210 : vector<256xf32> to vector<256x1xf32>
    %le3A_212 = vector.broadcast %broadcast_in_dim3A_211 : vector<256x1xf32> to vector<256x4096xf32>
    %le3A_213 = arith.cmpf ole, %select_n3A_208, %le3A_212 : vector<256x4096xf32>
    %jit3A_214 = arith.constant 1.000000e+09 : f32
    %broadcast_in_dim3A_215 = vector.broadcast %jit3A_214 : f32 to vector<256x4096xf32>
    %select_n3A_216 = arith.select %le3A_213, %convert_element_type3A_21, %broadcast_in_dim3A_215 : vector<256x4096xi1>, vector<256x4096xf32>
    %reduce_min3A_217 = arith.constant dense<0x7F800000> : vector<256xf32>
    %reduce_min3A_218 = vector.multi_reduction <minimumf>, %select_n3A_216, %reduce_min3A_217 [1] : vector<256x4096xf32> to vector<256xf32>
    %broadcast_in_dim3A_219 = vector.shape_cast %reduce_min3A_218 : vector<256xf32> to vector<256x1xf32>
    %eq3A_220 = vector.broadcast %broadcast_in_dim3A_219 : vector<256x1xf32> to vector<256x4096xf32>
    %eq3A_221 = arith.cmpf oeq, %select_n3A_216, %eq3A_220 : vector<256x4096xf32>
    %jit3A_222 = arith.constant 0x7F800000 : f32
    %broadcast_in_dim3A_223 = vector.broadcast %jit3A_222 : f32 to vector<256x4096xf32>
    %select_n3A_224 = arith.select %eq3A_221, %broadcast_in_dim3A_223, %select_n3A_208 : vector<256x4096xi1>, vector<256x4096xf32>
    %reduce_min3A_225 = arith.constant dense<0x7F800000> : vector<256xf32>
    %reduce_min3A_226 = vector.multi_reduction <minimumf>, %select_n3A_224, %reduce_min3A_225 [1] : vector<256x4096xf32> to vector<256xf32>
    %broadcast_in_dim3A_227 = vector.shape_cast %reduce_min3A_226 : vector<256xf32> to vector<256x1xf32>
    %le3A_228 = vector.broadcast %broadcast_in_dim3A_227 : vector<256x1xf32> to vector<256x4096xf32>
    %le3A_229 = arith.cmpf ole, %select_n3A_224, %le3A_228 : vector<256x4096xf32>
    %jit3A_230 = arith.constant 1.000000e+09 : f32
    %broadcast_in_dim3A_231 = vector.broadcast %jit3A_230 : f32 to vector<256x4096xf32>
    %select_n3A_232 = arith.select %le3A_229, %convert_element_type3A_21, %broadcast_in_dim3A_231 : vector<256x4096xi1>, vector<256x4096xf32>
    %reduce_min3A_233 = arith.constant dense<0x7F800000> : vector<256xf32>
    %reduce_min3A_234 = vector.multi_reduction <minimumf>, %select_n3A_232, %reduce_min3A_233 [1] : vector<256x4096xf32> to vector<256xf32>
    %broadcast_in_dim3A_235 = vector.shape_cast %reduce_min3A_234 : vector<256xf32> to vector<256x1xf32>
    %eq3A_236 = vector.broadcast %broadcast_in_dim3A_235 : vector<256x1xf32> to vector<256x4096xf32>
    %eq3A_237 = arith.cmpf oeq, %select_n3A_232, %eq3A_236 : vector<256x4096xf32>
    %jit3A_238 = arith.constant 0x7F800000 : f32
    %broadcast_in_dim3A_239 = vector.broadcast %jit3A_238 : f32 to vector<256x4096xf32>
    %select_n3A_240 = arith.select %eq3A_237, %broadcast_in_dim3A_239, %select_n3A_224 : vector<256x4096xi1>, vector<256x4096xf32>
    %reduce_min3A_241 = arith.constant dense<0x7F800000> : vector<256xf32>
    %reduce_min3A_242 = vector.multi_reduction <minimumf>, %select_n3A_240, %reduce_min3A_241 [1] : vector<256x4096xf32> to vector<256xf32>
    %broadcast_in_dim3A_243 = vector.shape_cast %reduce_min3A_242 : vector<256xf32> to vector<256x1xf32>
    %le3A_244 = vector.broadcast %broadcast_in_dim3A_243 : vector<256x1xf32> to vector<256x4096xf32>
    %le3A_245 = arith.cmpf ole, %select_n3A_240, %le3A_244 : vector<256x4096xf32>
    %jit3A_246 = arith.constant 1.000000e+09 : f32
    %broadcast_in_dim3A_247 = vector.broadcast %jit3A_246 : f32 to vector<256x4096xf32>
    %select_n3A_248 = arith.select %le3A_245, %convert_element_type3A_21, %broadcast_in_dim3A_247 : vector<256x4096xi1>, vector<256x4096xf32>
    %reduce_min3A_249 = arith.constant dense<0x7F800000> : vector<256xf32>
    %reduce_min3A_250 = vector.multi_reduction <minimumf>, %select_n3A_248, %reduce_min3A_249 [1] : vector<256x4096xf32> to vector<256xf32>
    %broadcast_in_dim3A_251 = vector.shape_cast %reduce_min3A_250 : vector<256xf32> to vector<256x1xf32>
    %eq3A_252 = vector.broadcast %broadcast_in_dim3A_251 : vector<256x1xf32> to vector<256x4096xf32>
    %eq3A_253 = arith.cmpf oeq, %select_n3A_248, %eq3A_252 : vector<256x4096xf32>
    %jit3A_254 = arith.constant 0x7F800000 : f32
    %broadcast_in_dim3A_255 = vector.broadcast %jit3A_254 : f32 to vector<256x4096xf32>
    %select_n3A_256 = arith.select %eq3A_253, %broadcast_in_dim3A_255, %select_n3A_240 : vector<256x4096xi1>, vector<256x4096xf32>
    %reduce_min3A_257 = arith.constant dense<0x7F800000> : vector<256xf32>
    %reduce_min3A_258 = vector.multi_reduction <minimumf>, %select_n3A_256, %reduce_min3A_257 [1] : vector<256x4096xf32> to vector<256xf32>
    %broadcast_in_dim3A_259 = vector.shape_cast %reduce_min3A_258 : vector<256xf32> to vector<256x1xf32>
    %le3A_260 = vector.broadcast %broadcast_in_dim3A_259 : vector<256x1xf32> to vector<256x4096xf32>
    %le3A_261 = arith.cmpf ole, %select_n3A_256, %le3A_260 : vector<256x4096xf32>
    %jit3A_262 = arith.constant 1.000000e+09 : f32
    %broadcast_in_dim3A_263 = vector.broadcast %jit3A_262 : f32 to vector<256x4096xf32>
    %select_n3A_264 = arith.select %le3A_261, %convert_element_type3A_21, %broadcast_in_dim3A_263 : vector<256x4096xi1>, vector<256x4096xf32>
    %reduce_min3A_265 = arith.constant dense<0x7F800000> : vector<256xf32>
    %reduce_min3A_266 = vector.multi_reduction <minimumf>, %select_n3A_264, %reduce_min3A_265 [1] : vector<256x4096xf32> to vector<256xf32>
    %broadcast_in_dim3A_267 = vector.shape_cast %reduce_min3A_266 : vector<256xf32> to vector<256x1xf32>
    %eq3A_268 = vector.broadcast %broadcast_in_dim3A_267 : vector<256x1xf32> to vector<256x4096xf32>
    %eq3A_269 = arith.cmpf oeq, %select_n3A_264, %eq3A_268 : vector<256x4096xf32>
    %jit3A_270 = arith.constant 0x7F800000 : f32
    %broadcast_in_dim3A_271 = vector.broadcast %jit3A_270 : f32 to vector<256x4096xf32>
    %select_n3A_272 = arith.select %eq3A_269, %broadcast_in_dim3A_271, %select_n3A_256 : vector<256x4096xi1>, vector<256x4096xf32>
    %reduce_min3A_273 = arith.constant dense<0x7F800000> : vector<256xf32>
    %reduce_min3A_274 = vector.multi_reduction <minimumf>, %select_n3A_272, %reduce_min3A_273 [1] : vector<256x4096xf32> to vector<256xf32>
    %broadcast_in_dim3A_275 = vector.shape_cast %reduce_min3A_274 : vector<256xf32> to vector<256x1xf32>
    %le3A_276 = vector.broadcast %broadcast_in_dim3A_275 : vector<256x1xf32> to vector<256x4096xf32>
    %le3A_277 = arith.cmpf ole, %select_n3A_272, %le3A_276 : vector<256x4096xf32>
    %jit3A_278 = arith.constant 1.000000e+09 : f32
    %broadcast_in_dim3A_279 = vector.broadcast %jit3A_278 : f32 to vector<256x4096xf32>
    %select_n3A_280 = arith.select %le3A_277, %convert_element_type3A_21, %broadcast_in_dim3A_279 : vector<256x4096xi1>, vector<256x4096xf32>
    %reduce_min3A_281 = arith.constant dense<0x7F800000> : vector<256xf32>
    %reduce_min3A_282 = vector.multi_reduction <minimumf>, %select_n3A_280, %reduce_min3A_281 [1] : vector<256x4096xf32> to vector<256xf32>
    %broadcast_in_dim3A_283 = vector.shape_cast %reduce_min3A_282 : vector<256xf32> to vector<256x1xf32>
    %eq3A_284 = vector.broadcast %broadcast_in_dim3A_283 : vector<256x1xf32> to vector<256x4096xf32>
    %eq3A_285 = arith.cmpf oeq, %select_n3A_280, %eq3A_284 : vector<256x4096xf32>
    %jit3A_286 = arith.constant 0x7F800000 : f32
    %broadcast_in_dim3A_287 = vector.broadcast %jit3A_286 : f32 to vector<256x4096xf32>
    %select_n3A_288 = arith.select %eq3A_285, %broadcast_in_dim3A_287, %select_n3A_272 : vector<256x4096xi1>, vector<256x4096xf32>
    %reduce_min3A_289 = arith.constant dense<0x7F800000> : vector<256xf32>
    %reduce_min3A_290 = vector.multi_reduction <minimumf>, %select_n3A_288, %reduce_min3A_289 [1] : vector<256x4096xf32> to vector<256xf32>
    %broadcast_in_dim3A_291 = vector.shape_cast %reduce_min3A_290 : vector<256xf32> to vector<256x1xf32>
    %le3A_292 = vector.broadcast %broadcast_in_dim3A_291 : vector<256x1xf32> to vector<256x4096xf32>
    %le3A_293 = arith.cmpf ole, %select_n3A_288, %le3A_292 : vector<256x4096xf32>
    %jit3A_294 = arith.constant 1.000000e+09 : f32
    %broadcast_in_dim3A_295 = vector.broadcast %jit3A_294 : f32 to vector<256x4096xf32>
    %select_n3A_296 = arith.select %le3A_293, %convert_element_type3A_21, %broadcast_in_dim3A_295 : vector<256x4096xi1>, vector<256x4096xf32>
    %reduce_min3A_297 = arith.constant dense<0x7F800000> : vector<256xf32>
    %reduce_min3A_298 = vector.multi_reduction <minimumf>, %select_n3A_296, %reduce_min3A_297 [1] : vector<256x4096xf32> to vector<256xf32>
    %broadcast_in_dim3A_299 = vector.shape_cast %reduce_min3A_298 : vector<256xf32> to vector<256x1xf32>
    %eq3A_300 = vector.broadcast %broadcast_in_dim3A_299 : vector<256x1xf32> to vector<256x4096xf32>
    %eq3A_301 = arith.cmpf oeq, %select_n3A_296, %eq3A_300 : vector<256x4096xf32>
    %jit3A_302 = arith.constant 0x7F800000 : f32
    %broadcast_in_dim3A_303 = vector.broadcast %jit3A_302 : f32 to vector<256x4096xf32>
    %select_n3A_304 = arith.select %eq3A_301, %broadcast_in_dim3A_303, %select_n3A_288 : vector<256x4096xi1>, vector<256x4096xf32>
    %reduce_min3A_305 = arith.constant dense<0x7F800000> : vector<256xf32>
    %reduce_min3A_306 = vector.multi_reduction <minimumf>, %select_n3A_304, %reduce_min3A_305 [1] : vector<256x4096xf32> to vector<256xf32>
    %broadcast_in_dim3A_307 = vector.shape_cast %reduce_min3A_306 : vector<256xf32> to vector<256x1xf32>
    %le3A_308 = vector.broadcast %broadcast_in_dim3A_307 : vector<256x1xf32> to vector<256x4096xf32>
    %le3A_309 = arith.cmpf ole, %select_n3A_304, %le3A_308 : vector<256x4096xf32>
    %jit3A_310 = arith.constant 1.000000e+09 : f32
    %broadcast_in_dim3A_311 = vector.broadcast %jit3A_310 : f32 to vector<256x4096xf32>
    %select_n3A_312 = arith.select %le3A_309, %convert_element_type3A_21, %broadcast_in_dim3A_311 : vector<256x4096xi1>, vector<256x4096xf32>
    %reduce_min3A_313 = arith.constant dense<0x7F800000> : vector<256xf32>
    %reduce_min3A_314 = vector.multi_reduction <minimumf>, %select_n3A_312, %reduce_min3A_313 [1] : vector<256x4096xf32> to vector<256xf32>
    %broadcast_in_dim3A_315 = vector.shape_cast %reduce_min3A_314 : vector<256xf32> to vector<256x1xf32>
    %eq3A_316 = vector.broadcast %broadcast_in_dim3A_315 : vector<256x1xf32> to vector<256x4096xf32>
    %eq3A_317 = arith.cmpf oeq, %select_n3A_312, %eq3A_316 : vector<256x4096xf32>
    %jit3A_318 = arith.constant 0x7F800000 : f32
    %broadcast_in_dim3A_319 = vector.broadcast %jit3A_318 : f32 to vector<256x4096xf32>
    %select_n3A_320 = arith.select %eq3A_317, %broadcast_in_dim3A_319, %select_n3A_304 : vector<256x4096xi1>, vector<256x4096xf32>
    %reduce_min3A_321 = arith.constant dense<0x7F800000> : vector<256xf32>
    %reduce_min3A_322 = vector.multi_reduction <minimumf>, %select_n3A_320, %reduce_min3A_321 [1] : vector<256x4096xf32> to vector<256xf32>
    %broadcast_in_dim3A_323 = vector.shape_cast %reduce_min3A_322 : vector<256xf32> to vector<256x1xf32>
    %le3A_324 = vector.broadcast %broadcast_in_dim3A_323 : vector<256x1xf32> to vector<256x4096xf32>
    %le3A_325 = arith.cmpf ole, %select_n3A_320, %le3A_324 : vector<256x4096xf32>
    %jit3A_326 = arith.constant 1.000000e+09 : f32
    %broadcast_in_dim3A_327 = vector.broadcast %jit3A_326 : f32 to vector<256x4096xf32>
    %select_n3A_328 = arith.select %le3A_325, %convert_element_type3A_21, %broadcast_in_dim3A_327 : vector<256x4096xi1>, vector<256x4096xf32>
    %reduce_min3A_329 = arith.constant dense<0x7F800000> : vector<256xf32>
    %reduce_min3A_330 = vector.multi_reduction <minimumf>, %select_n3A_328, %reduce_min3A_329 [1] : vector<256x4096xf32> to vector<256xf32>
    %broadcast_in_dim3A_331 = vector.shape_cast %reduce_min3A_330 : vector<256xf32> to vector<256x1xf32>
    %eq3A_332 = vector.broadcast %broadcast_in_dim3A_331 : vector<256x1xf32> to vector<256x4096xf32>
    %eq3A_333 = arith.cmpf oeq, %select_n3A_328, %eq3A_332 : vector<256x4096xf32>
    %jit3A_334 = arith.constant 0x7F800000 : f32
    %broadcast_in_dim3A_335 = vector.broadcast %jit3A_334 : f32 to vector<256x4096xf32>
    %select_n3A_336 = arith.select %eq3A_333, %broadcast_in_dim3A_335, %select_n3A_320 : vector<256x4096xi1>, vector<256x4096xf32>
    %reduce_min3A_337 = arith.constant dense<0x7F800000> : vector<256xf32>
    %reduce_min3A_338 = vector.multi_reduction <minimumf>, %select_n3A_336, %reduce_min3A_337 [1] : vector<256x4096xf32> to vector<256xf32>
    %broadcast_in_dim3A_339 = vector.shape_cast %reduce_min3A_338 : vector<256xf32> to vector<256x1xf32>
    %le3A_340 = vector.broadcast %broadcast_in_dim3A_339 : vector<256x1xf32> to vector<256x4096xf32>
    %le3A_341 = arith.cmpf ole, %select_n3A_336, %le3A_340 : vector<256x4096xf32>
    %jit3A_342 = arith.constant 1.000000e+09 : f32
    %broadcast_in_dim3A_343 = vector.broadcast %jit3A_342 : f32 to vector<256x4096xf32>
    %select_n3A_344 = arith.select %le3A_341, %convert_element_type3A_21, %broadcast_in_dim3A_343 : vector<256x4096xi1>, vector<256x4096xf32>
    %reduce_min3A_345 = arith.constant dense<0x7F800000> : vector<256xf32>
    %reduce_min3A_346 = vector.multi_reduction <minimumf>, %select_n3A_344, %reduce_min3A_345 [1] : vector<256x4096xf32> to vector<256xf32>
    %broadcast_in_dim3A_347 = vector.shape_cast %reduce_min3A_346 : vector<256xf32> to vector<256x1xf32>
    %eq3A_348 = vector.broadcast %broadcast_in_dim3A_347 : vector<256x1xf32> to vector<256x4096xf32>
    %eq3A_349 = arith.cmpf oeq, %select_n3A_344, %eq3A_348 : vector<256x4096xf32>
    %jit3A_350 = arith.constant 0x7F800000 : f32
    %broadcast_in_dim3A_351 = vector.broadcast %jit3A_350 : f32 to vector<256x4096xf32>
    %select_n3A_352 = arith.select %eq3A_349, %broadcast_in_dim3A_351, %select_n3A_336 : vector<256x4096xi1>, vector<256x4096xf32>
    %reduce_min3A_353 = arith.constant dense<0x7F800000> : vector<256xf32>
    %reduce_min3A_354 = vector.multi_reduction <minimumf>, %select_n3A_352, %reduce_min3A_353 [1] : vector<256x4096xf32> to vector<256xf32>
    %broadcast_in_dim3A_355 = vector.shape_cast %reduce_min3A_354 : vector<256xf32> to vector<256x1xf32>
    %le3A_356 = vector.broadcast %broadcast_in_dim3A_355 : vector<256x1xf32> to vector<256x4096xf32>
    %le3A_357 = arith.cmpf ole, %select_n3A_352, %le3A_356 : vector<256x4096xf32>
    %jit3A_358 = arith.constant 1.000000e+09 : f32
    %broadcast_in_dim3A_359 = vector.broadcast %jit3A_358 : f32 to vector<256x4096xf32>
    %select_n3A_360 = arith.select %le3A_357, %convert_element_type3A_21, %broadcast_in_dim3A_359 : vector<256x4096xi1>, vector<256x4096xf32>
    %reduce_min3A_361 = arith.constant dense<0x7F800000> : vector<256xf32>
    %reduce_min3A_362 = vector.multi_reduction <minimumf>, %select_n3A_360, %reduce_min3A_361 [1] : vector<256x4096xf32> to vector<256xf32>
    %broadcast_in_dim3A_363 = vector.shape_cast %reduce_min3A_362 : vector<256xf32> to vector<256x1xf32>
    %eq3A_364 = vector.broadcast %broadcast_in_dim3A_363 : vector<256x1xf32> to vector<256x4096xf32>
    %eq3A_365 = arith.cmpf oeq, %select_n3A_360, %eq3A_364 : vector<256x4096xf32>
    %jit3A_366 = arith.constant 0x7F800000 : f32
    %broadcast_in_dim3A_367 = vector.broadcast %jit3A_366 : f32 to vector<256x4096xf32>
    %select_n3A_368 = arith.select %eq3A_365, %broadcast_in_dim3A_367, %select_n3A_352 : vector<256x4096xi1>, vector<256x4096xf32>
    %reduce_min3A_369 = arith.constant dense<0x7F800000> : vector<256xf32>
    %reduce_min3A_370 = vector.multi_reduction <minimumf>, %select_n3A_368, %reduce_min3A_369 [1] : vector<256x4096xf32> to vector<256xf32>
    %broadcast_in_dim3A_371 = vector.shape_cast %reduce_min3A_370 : vector<256xf32> to vector<256x1xf32>
    %le3A_372 = vector.broadcast %broadcast_in_dim3A_371 : vector<256x1xf32> to vector<256x4096xf32>
    %le3A_373 = arith.cmpf ole, %select_n3A_368, %le3A_372 : vector<256x4096xf32>
    %jit3A_374 = arith.constant 1.000000e+09 : f32
    %broadcast_in_dim3A_375 = vector.broadcast %jit3A_374 : f32 to vector<256x4096xf32>
    %select_n3A_376 = arith.select %le3A_373, %convert_element_type3A_21, %broadcast_in_dim3A_375 : vector<256x4096xi1>, vector<256x4096xf32>
    %reduce_min3A_377 = arith.constant dense<0x7F800000> : vector<256xf32>
    %reduce_min3A_378 = vector.multi_reduction <minimumf>, %select_n3A_376, %reduce_min3A_377 [1] : vector<256x4096xf32> to vector<256xf32>
    %broadcast_in_dim3A_379 = vector.shape_cast %reduce_min3A_378 : vector<256xf32> to vector<256x1xf32>
    %eq3A_380 = vector.broadcast %broadcast_in_dim3A_379 : vector<256x1xf32> to vector<256x4096xf32>
    %eq3A_381 = arith.cmpf oeq, %select_n3A_376, %eq3A_380 : vector<256x4096xf32>
    %jit3A_382 = arith.constant 0x7F800000 : f32
    %broadcast_in_dim3A_383 = vector.broadcast %jit3A_382 : f32 to vector<256x4096xf32>
    %select_n3A_384 = arith.select %eq3A_381, %broadcast_in_dim3A_383, %select_n3A_368 : vector<256x4096xi1>, vector<256x4096xf32>
    %reduce_min3A_385 = arith.constant dense<0x7F800000> : vector<256xf32>
    %reduce_min3A_386 = vector.multi_reduction <minimumf>, %select_n3A_384, %reduce_min3A_385 [1] : vector<256x4096xf32> to vector<256xf32>
    %broadcast_in_dim3A_387 = vector.shape_cast %reduce_min3A_386 : vector<256xf32> to vector<256x1xf32>
    %le3A_388 = vector.broadcast %broadcast_in_dim3A_387 : vector<256x1xf32> to vector<256x4096xf32>
    %le3A_389 = arith.cmpf ole, %select_n3A_384, %le3A_388 : vector<256x4096xf32>
    %jit3A_390 = arith.constant 1.000000e+09 : f32
    %broadcast_in_dim3A_391 = vector.broadcast %jit3A_390 : f32 to vector<256x4096xf32>
    %select_n3A_392 = arith.select %le3A_389, %convert_element_type3A_21, %broadcast_in_dim3A_391 : vector<256x4096xi1>, vector<256x4096xf32>
    %reduce_min3A_393 = arith.constant dense<0x7F800000> : vector<256xf32>
    %reduce_min3A_394 = vector.multi_reduction <minimumf>, %select_n3A_392, %reduce_min3A_393 [1] : vector<256x4096xf32> to vector<256xf32>
    %broadcast_in_dim3A_395 = vector.shape_cast %reduce_min3A_394 : vector<256xf32> to vector<256x1xf32>
    %eq3A_396 = vector.broadcast %broadcast_in_dim3A_395 : vector<256x1xf32> to vector<256x4096xf32>
    %eq3A_397 = arith.cmpf oeq, %select_n3A_392, %eq3A_396 : vector<256x4096xf32>
    %jit3A_398 = arith.constant 0x7F800000 : f32
    %broadcast_in_dim3A_399 = vector.broadcast %jit3A_398 : f32 to vector<256x4096xf32>
    %select_n3A_400 = arith.select %eq3A_397, %broadcast_in_dim3A_399, %select_n3A_384 : vector<256x4096xi1>, vector<256x4096xf32>
    %reduce_min3A_401 = arith.constant dense<0x7F800000> : vector<256xf32>
    %reduce_min3A_402 = vector.multi_reduction <minimumf>, %select_n3A_400, %reduce_min3A_401 [1] : vector<256x4096xf32> to vector<256xf32>
    %broadcast_in_dim3A_403 = vector.shape_cast %reduce_min3A_402 : vector<256xf32> to vector<256x1xf32>
    %le3A_404 = vector.broadcast %broadcast_in_dim3A_403 : vector<256x1xf32> to vector<256x4096xf32>
    %le3A_405 = arith.cmpf ole, %select_n3A_400, %le3A_404 : vector<256x4096xf32>
    %jit3A_406 = arith.constant 1.000000e+09 : f32
    %broadcast_in_dim3A_407 = vector.broadcast %jit3A_406 : f32 to vector<256x4096xf32>
    %select_n3A_408 = arith.select %le3A_405, %convert_element_type3A_21, %broadcast_in_dim3A_407 : vector<256x4096xi1>, vector<256x4096xf32>
    %reduce_min3A_409 = arith.constant dense<0x7F800000> : vector<256xf32>
    %reduce_min3A_410 = vector.multi_reduction <minimumf>, %select_n3A_408, %reduce_min3A_409 [1] : vector<256x4096xf32> to vector<256xf32>
    %broadcast_in_dim3A_411 = vector.shape_cast %reduce_min3A_410 : vector<256xf32> to vector<256x1xf32>
    %eq3A_412 = vector.broadcast %broadcast_in_dim3A_411 : vector<256x1xf32> to vector<256x4096xf32>
    %eq3A_413 = arith.cmpf oeq, %select_n3A_408, %eq3A_412 : vector<256x4096xf32>
    %jit3A_414 = arith.constant 0x7F800000 : f32
    %broadcast_in_dim3A_415 = vector.broadcast %jit3A_414 : f32 to vector<256x4096xf32>
    %select_n3A_416 = arith.select %eq3A_413, %broadcast_in_dim3A_415, %select_n3A_400 : vector<256x4096xi1>, vector<256x4096xf32>
    %reduce_min3A_417 = arith.constant dense<0x7F800000> : vector<256xf32>
    %reduce_min3A_418 = vector.multi_reduction <minimumf>, %select_n3A_416, %reduce_min3A_417 [1] : vector<256x4096xf32> to vector<256xf32>
    %broadcast_in_dim3A_419 = vector.shape_cast %reduce_min3A_418 : vector<256xf32> to vector<256x1xf32>
    %le3A_420 = vector.broadcast %broadcast_in_dim3A_419 : vector<256x1xf32> to vector<256x4096xf32>
    %le3A_421 = arith.cmpf ole, %select_n3A_416, %le3A_420 : vector<256x4096xf32>
    %jit3A_422 = arith.constant 1.000000e+09 : f32
    %broadcast_in_dim3A_423 = vector.broadcast %jit3A_422 : f32 to vector<256x4096xf32>
    %select_n3A_424 = arith.select %le3A_421, %convert_element_type3A_21, %broadcast_in_dim3A_423 : vector<256x4096xi1>, vector<256x4096xf32>
    %reduce_min3A_425 = arith.constant dense<0x7F800000> : vector<256xf32>
    %reduce_min3A_426 = vector.multi_reduction <minimumf>, %select_n3A_424, %reduce_min3A_425 [1] : vector<256x4096xf32> to vector<256xf32>
    %broadcast_in_dim3A_427 = vector.shape_cast %reduce_min3A_426 : vector<256xf32> to vector<256x1xf32>
    %eq3A_428 = vector.broadcast %broadcast_in_dim3A_427 : vector<256x1xf32> to vector<256x4096xf32>
    %eq3A_429 = arith.cmpf oeq, %select_n3A_424, %eq3A_428 : vector<256x4096xf32>
    %jit3A_430 = arith.constant 0x7F800000 : f32
    %broadcast_in_dim3A_431 = vector.broadcast %jit3A_430 : f32 to vector<256x4096xf32>
    %select_n3A_432 = arith.select %eq3A_429, %broadcast_in_dim3A_431, %select_n3A_416 : vector<256x4096xi1>, vector<256x4096xf32>
    %reduce_min3A_433 = arith.constant dense<0x7F800000> : vector<256xf32>
    %reduce_min3A_434 = vector.multi_reduction <minimumf>, %select_n3A_432, %reduce_min3A_433 [1] : vector<256x4096xf32> to vector<256xf32>
    %broadcast_in_dim3A_435 = vector.shape_cast %reduce_min3A_434 : vector<256xf32> to vector<256x1xf32>
    %le3A_436 = vector.broadcast %broadcast_in_dim3A_435 : vector<256x1xf32> to vector<256x4096xf32>
    %le3A_437 = arith.cmpf ole, %select_n3A_432, %le3A_436 : vector<256x4096xf32>
    %jit3A_438 = arith.constant 1.000000e+09 : f32
    %broadcast_in_dim3A_439 = vector.broadcast %jit3A_438 : f32 to vector<256x4096xf32>
    %select_n3A_440 = arith.select %le3A_437, %convert_element_type3A_21, %broadcast_in_dim3A_439 : vector<256x4096xi1>, vector<256x4096xf32>
    %reduce_min3A_441 = arith.constant dense<0x7F800000> : vector<256xf32>
    %reduce_min3A_442 = vector.multi_reduction <minimumf>, %select_n3A_440, %reduce_min3A_441 [1] : vector<256x4096xf32> to vector<256xf32>
    %broadcast_in_dim3A_443 = vector.shape_cast %reduce_min3A_442 : vector<256xf32> to vector<256x1xf32>
    %eq3A_444 = vector.broadcast %broadcast_in_dim3A_443 : vector<256x1xf32> to vector<256x4096xf32>
    %eq3A_445 = arith.cmpf oeq, %select_n3A_440, %eq3A_444 : vector<256x4096xf32>
    %jit3A_446 = arith.constant 0x7F800000 : f32
    %broadcast_in_dim3A_447 = vector.broadcast %jit3A_446 : f32 to vector<256x4096xf32>
    %select_n3A_448 = arith.select %eq3A_445, %broadcast_in_dim3A_447, %select_n3A_432 : vector<256x4096xi1>, vector<256x4096xf32>
    %reduce_min3A_449 = arith.constant dense<0x7F800000> : vector<256xf32>
    %reduce_min3A_450 = vector.multi_reduction <minimumf>, %select_n3A_448, %reduce_min3A_449 [1] : vector<256x4096xf32> to vector<256xf32>
    %broadcast_in_dim3A_451 = vector.shape_cast %reduce_min3A_450 : vector<256xf32> to vector<256x1xf32>
    %le3A_452 = vector.broadcast %broadcast_in_dim3A_451 : vector<256x1xf32> to vector<256x4096xf32>
    %le3A_453 = arith.cmpf ole, %select_n3A_448, %le3A_452 : vector<256x4096xf32>
    %jit3A_454 = arith.constant 1.000000e+09 : f32
    %broadcast_in_dim3A_455 = vector.broadcast %jit3A_454 : f32 to vector<256x4096xf32>
    %select_n3A_456 = arith.select %le3A_453, %convert_element_type3A_21, %broadcast_in_dim3A_455 : vector<256x4096xi1>, vector<256x4096xf32>
    %reduce_min3A_457 = arith.constant dense<0x7F800000> : vector<256xf32>
    %reduce_min3A_458 = vector.multi_reduction <minimumf>, %select_n3A_456, %reduce_min3A_457 [1] : vector<256x4096xf32> to vector<256xf32>
    %broadcast_in_dim3A_459 = vector.shape_cast %reduce_min3A_458 : vector<256xf32> to vector<256x1xf32>
    %eq3A_460 = vector.broadcast %broadcast_in_dim3A_459 : vector<256x1xf32> to vector<256x4096xf32>
    %eq3A_461 = arith.cmpf oeq, %select_n3A_456, %eq3A_460 : vector<256x4096xf32>
    %jit3A_462 = arith.constant 0x7F800000 : f32
    %broadcast_in_dim3A_463 = vector.broadcast %jit3A_462 : f32 to vector<256x4096xf32>
    %select_n3A_464 = arith.select %eq3A_461, %broadcast_in_dim3A_463, %select_n3A_448 : vector<256x4096xi1>, vector<256x4096xf32>
    %reduce_min3A_465 = arith.constant dense<0x7F800000> : vector<256xf32>
    %reduce_min3A_466 = vector.multi_reduction <minimumf>, %select_n3A_464, %reduce_min3A_465 [1] : vector<256x4096xf32> to vector<256xf32>
    %broadcast_in_dim3A_467 = vector.shape_cast %reduce_min3A_466 : vector<256xf32> to vector<256x1xf32>
    %le3A_468 = vector.broadcast %broadcast_in_dim3A_467 : vector<256x1xf32> to vector<256x4096xf32>
    %le3A_469 = arith.cmpf ole, %select_n3A_464, %le3A_468 : vector<256x4096xf32>
    %jit3A_470 = arith.constant 1.000000e+09 : f32
    %broadcast_in_dim3A_471 = vector.broadcast %jit3A_470 : f32 to vector<256x4096xf32>
    %select_n3A_472 = arith.select %le3A_469, %convert_element_type3A_21, %broadcast_in_dim3A_471 : vector<256x4096xi1>, vector<256x4096xf32>
    %reduce_min3A_473 = arith.constant dense<0x7F800000> : vector<256xf32>
    %reduce_min3A_474 = vector.multi_reduction <minimumf>, %select_n3A_472, %reduce_min3A_473 [1] : vector<256x4096xf32> to vector<256xf32>
    %broadcast_in_dim3A_475 = vector.shape_cast %reduce_min3A_474 : vector<256xf32> to vector<256x1xf32>
    %eq3A_476 = vector.broadcast %broadcast_in_dim3A_475 : vector<256x1xf32> to vector<256x4096xf32>
    %eq3A_477 = arith.cmpf oeq, %select_n3A_472, %eq3A_476 : vector<256x4096xf32>
    %jit3A_478 = arith.constant 0x7F800000 : f32
    %broadcast_in_dim3A_479 = vector.broadcast %jit3A_478 : f32 to vector<256x4096xf32>
    %select_n3A_480 = arith.select %eq3A_477, %broadcast_in_dim3A_479, %select_n3A_464 : vector<256x4096xi1>, vector<256x4096xf32>
    %reduce_min3A_481 = arith.constant dense<0x7F800000> : vector<256xf32>
    %reduce_min3A_482 = vector.multi_reduction <minimumf>, %select_n3A_480, %reduce_min3A_481 [1] : vector<256x4096xf32> to vector<256xf32>
    %broadcast_in_dim3A_483 = vector.shape_cast %reduce_min3A_482 : vector<256xf32> to vector<256x1xf32>
    %le3A_484 = vector.broadcast %broadcast_in_dim3A_483 : vector<256x1xf32> to vector<256x4096xf32>
    %le3A_485 = arith.cmpf ole, %select_n3A_480, %le3A_484 : vector<256x4096xf32>
    %jit3A_486 = arith.constant 1.000000e+09 : f32
    %broadcast_in_dim3A_487 = vector.broadcast %jit3A_486 : f32 to vector<256x4096xf32>
    %select_n3A_488 = arith.select %le3A_485, %convert_element_type3A_21, %broadcast_in_dim3A_487 : vector<256x4096xi1>, vector<256x4096xf32>
    %reduce_min3A_489 = arith.constant dense<0x7F800000> : vector<256xf32>
    %reduce_min3A_490 = vector.multi_reduction <minimumf>, %select_n3A_488, %reduce_min3A_489 [1] : vector<256x4096xf32> to vector<256xf32>
    %broadcast_in_dim3A_491 = vector.shape_cast %reduce_min3A_490 : vector<256xf32> to vector<256x1xf32>
    %eq3A_492 = vector.broadcast %broadcast_in_dim3A_491 : vector<256x1xf32> to vector<256x4096xf32>
    %eq3A_493 = arith.cmpf oeq, %select_n3A_488, %eq3A_492 : vector<256x4096xf32>
    %jit3A_494 = arith.constant 0x7F800000 : f32
    %broadcast_in_dim3A_495 = vector.broadcast %jit3A_494 : f32 to vector<256x4096xf32>
    %select_n3A_496 = arith.select %eq3A_493, %broadcast_in_dim3A_495, %select_n3A_480 : vector<256x4096xi1>, vector<256x4096xf32>
    %reduce_min3A_497 = arith.constant dense<0x7F800000> : vector<256xf32>
    %reduce_min3A_498 = vector.multi_reduction <minimumf>, %select_n3A_496, %reduce_min3A_497 [1] : vector<256x4096xf32> to vector<256xf32>
    %broadcast_in_dim3A_499 = vector.shape_cast %reduce_min3A_498 : vector<256xf32> to vector<256x1xf32>
    %le3A_500 = vector.broadcast %broadcast_in_dim3A_499 : vector<256x1xf32> to vector<256x4096xf32>
    %le3A_501 = arith.cmpf ole, %select_n3A_496, %le3A_500 : vector<256x4096xf32>
    %jit3A_502 = arith.constant 1.000000e+09 : f32
    %broadcast_in_dim3A_503 = vector.broadcast %jit3A_502 : f32 to vector<256x4096xf32>
    %select_n3A_504 = arith.select %le3A_501, %convert_element_type3A_21, %broadcast_in_dim3A_503 : vector<256x4096xi1>, vector<256x4096xf32>
    %reduce_min3A_505 = arith.constant dense<0x7F800000> : vector<256xf32>
    %reduce_min3A_506 = vector.multi_reduction <minimumf>, %select_n3A_504, %reduce_min3A_505 [1] : vector<256x4096xf32> to vector<256xf32>
    %broadcast_in_dim3A_507 = vector.shape_cast %reduce_min3A_506 : vector<256xf32> to vector<256x1xf32>
    %eq3A_508 = vector.broadcast %broadcast_in_dim3A_507 : vector<256x1xf32> to vector<256x4096xf32>
    %eq3A_509 = arith.cmpf oeq, %select_n3A_504, %eq3A_508 : vector<256x4096xf32>
    %jit3A_510 = arith.constant 0x7F800000 : f32
    %broadcast_in_dim3A_511 = vector.broadcast %jit3A_510 : f32 to vector<256x4096xf32>
    %select_n3A_512 = arith.select %eq3A_509, %broadcast_in_dim3A_511, %select_n3A_496 : vector<256x4096xi1>, vector<256x4096xf32>
    %reduce_min3A_513 = arith.constant dense<0x7F800000> : vector<256xf32>
    %reduce_min3A_514 = vector.multi_reduction <minimumf>, %select_n3A_512, %reduce_min3A_513 [1] : vector<256x4096xf32> to vector<256xf32>
    %broadcast_in_dim3A_515 = vector.shape_cast %reduce_min3A_514 : vector<256xf32> to vector<256x1xf32>
    %le3A_516 = vector.broadcast %broadcast_in_dim3A_515 : vector<256x1xf32> to vector<256x4096xf32>
    %le3A_517 = arith.cmpf ole, %select_n3A_512, %le3A_516 : vector<256x4096xf32>
    %jit3A_518 = arith.constant 1.000000e+09 : f32
    %broadcast_in_dim3A_519 = vector.broadcast %jit3A_518 : f32 to vector<256x4096xf32>
    %select_n3A_520 = arith.select %le3A_517, %convert_element_type3A_21, %broadcast_in_dim3A_519 : vector<256x4096xi1>, vector<256x4096xf32>
    %reduce_min3A_521 = arith.constant dense<0x7F800000> : vector<256xf32>
    %reduce_min3A_522 = vector.multi_reduction <minimumf>, %select_n3A_520, %reduce_min3A_521 [1] : vector<256x4096xf32> to vector<256xf32>
    %broadcast_in_dim3A_523 = vector.shape_cast %reduce_min3A_522 : vector<256xf32> to vector<256x1xf32>
    %eq3A_524 = vector.broadcast %broadcast_in_dim3A_523 : vector<256x1xf32> to vector<256x4096xf32>
    %eq3A_525 = arith.cmpf oeq, %select_n3A_520, %eq3A_524 : vector<256x4096xf32>
    %jit3A_526 = arith.constant 0x7F800000 : f32
    %broadcast_in_dim3A_527 = vector.broadcast %jit3A_526 : f32 to vector<256x4096xf32>
    %select_n3A_528 = arith.select %eq3A_525, %broadcast_in_dim3A_527, %select_n3A_512 : vector<256x4096xi1>, vector<256x4096xf32>
    %reduce_min3A_529 = arith.constant dense<0x7F800000> : vector<256xf32>
    %reduce_min3A_530 = vector.multi_reduction <minimumf>, %select_n3A_528, %reduce_min3A_529 [1] : vector<256x4096xf32> to vector<256xf32>
    %broadcast_in_dim3A_531 = vector.shape_cast %reduce_min3A_530 : vector<256xf32> to vector<256x1xf32>
    %le3A_532 = vector.broadcast %broadcast_in_dim3A_531 : vector<256x1xf32> to vector<256x4096xf32>
    %le3A_533 = arith.cmpf ole, %select_n3A_528, %le3A_532 : vector<256x4096xf32>
    %jit3A_534 = arith.constant 1.000000e+09 : f32
    %broadcast_in_dim3A_535 = vector.broadcast %jit3A_534 : f32 to vector<256x4096xf32>
    %select_n3A_536 = arith.select %le3A_533, %convert_element_type3A_21, %broadcast_in_dim3A_535 : vector<256x4096xi1>, vector<256x4096xf32>
    %reduce_min3A_537 = arith.constant dense<0x7F800000> : vector<256xf32>
    %reduce_min3A_538 = vector.multi_reduction <minimumf>, %select_n3A_536, %reduce_min3A_537 [1] : vector<256x4096xf32> to vector<256xf32>
    %broadcast_in_dim3A_539 = vector.shape_cast %reduce_min3A_538 : vector<256xf32> to vector<256x1xf32>
    %eq3A_540 = vector.broadcast %broadcast_in_dim3A_539 : vector<256x1xf32> to vector<256x4096xf32>
    %eq3A_541 = arith.cmpf oeq, %select_n3A_536, %eq3A_540 : vector<256x4096xf32>
    %jit3A_542 = arith.constant 0x7F800000 : f32
    %broadcast_in_dim3A_543 = vector.broadcast %jit3A_542 : f32 to vector<256x4096xf32>
    %select_n3A_544 = arith.select %eq3A_541, %broadcast_in_dim3A_543, %select_n3A_528 : vector<256x4096xi1>, vector<256x4096xf32>
    %reduce_min3A_545 = arith.constant dense<0x7F800000> : vector<256xf32>
    %reduce_min3A_546 = vector.multi_reduction <minimumf>, %select_n3A_544, %reduce_min3A_545 [1] : vector<256x4096xf32> to vector<256xf32>
    %broadcast_in_dim3A_547 = vector.shape_cast %reduce_min3A_546 : vector<256xf32> to vector<256x1xf32>
    %le3A_548 = vector.broadcast %broadcast_in_dim3A_547 : vector<256x1xf32> to vector<256x4096xf32>
    %le3A_549 = arith.cmpf ole, %select_n3A_544, %le3A_548 : vector<256x4096xf32>
    %jit3A_550 = arith.constant 1.000000e+09 : f32
    %broadcast_in_dim3A_551 = vector.broadcast %jit3A_550 : f32 to vector<256x4096xf32>
    %select_n3A_552 = arith.select %le3A_549, %convert_element_type3A_21, %broadcast_in_dim3A_551 : vector<256x4096xi1>, vector<256x4096xf32>
    %reduce_min3A_553 = arith.constant dense<0x7F800000> : vector<256xf32>
    %reduce_min3A_554 = vector.multi_reduction <minimumf>, %select_n3A_552, %reduce_min3A_553 [1] : vector<256x4096xf32> to vector<256xf32>
    %broadcast_in_dim3A_555 = vector.shape_cast %reduce_min3A_554 : vector<256xf32> to vector<256x1xf32>
    %eq3A_556 = vector.broadcast %broadcast_in_dim3A_555 : vector<256x1xf32> to vector<256x4096xf32>
    %eq3A_557 = arith.cmpf oeq, %select_n3A_552, %eq3A_556 : vector<256x4096xf32>
    %jit3A_558 = arith.constant 0x7F800000 : f32
    %broadcast_in_dim3A_559 = vector.broadcast %jit3A_558 : f32 to vector<256x4096xf32>
    %select_n3A_560 = arith.select %eq3A_557, %broadcast_in_dim3A_559, %select_n3A_544 : vector<256x4096xi1>, vector<256x4096xf32>
    %reduce_min3A_561 = arith.constant dense<0x7F800000> : vector<256xf32>
    %reduce_min3A_562 = vector.multi_reduction <minimumf>, %select_n3A_560, %reduce_min3A_561 [1] : vector<256x4096xf32> to vector<256xf32>
    %broadcast_in_dim3A_563 = vector.shape_cast %reduce_min3A_562 : vector<256xf32> to vector<256x1xf32>
    %le3A_564 = vector.broadcast %broadcast_in_dim3A_563 : vector<256x1xf32> to vector<256x4096xf32>
    %le3A_565 = arith.cmpf ole, %select_n3A_560, %le3A_564 : vector<256x4096xf32>
    %jit3A_566 = arith.constant 1.000000e+09 : f32
    %broadcast_in_dim3A_567 = vector.broadcast %jit3A_566 : f32 to vector<256x4096xf32>
    %select_n3A_568 = arith.select %le3A_565, %convert_element_type3A_21, %broadcast_in_dim3A_567 : vector<256x4096xi1>, vector<256x4096xf32>
    %reduce_min3A_569 = arith.constant dense<0x7F800000> : vector<256xf32>
    %reduce_min3A_570 = vector.multi_reduction <minimumf>, %select_n3A_568, %reduce_min3A_569 [1] : vector<256x4096xf32> to vector<256xf32>
    %broadcast_in_dim3A_571 = vector.shape_cast %reduce_min3A_570 : vector<256xf32> to vector<256x1xf32>
    %eq3A_572 = vector.broadcast %broadcast_in_dim3A_571 : vector<256x1xf32> to vector<256x4096xf32>
    %eq3A_573 = arith.cmpf oeq, %select_n3A_568, %eq3A_572 : vector<256x4096xf32>
    %jit3A_574 = arith.constant 0x7F800000 : f32
    %broadcast_in_dim3A_575 = vector.broadcast %jit3A_574 : f32 to vector<256x4096xf32>
    %select_n3A_576 = arith.select %eq3A_573, %broadcast_in_dim3A_575, %select_n3A_560 : vector<256x4096xi1>, vector<256x4096xf32>
    %reduce_min3A_577 = arith.constant dense<0x7F800000> : vector<256xf32>
    %reduce_min3A_578 = vector.multi_reduction <minimumf>, %select_n3A_576, %reduce_min3A_577 [1] : vector<256x4096xf32> to vector<256xf32>
    %broadcast_in_dim3A_579 = vector.shape_cast %reduce_min3A_578 : vector<256xf32> to vector<256x1xf32>
    %le3A_580 = vector.broadcast %broadcast_in_dim3A_579 : vector<256x1xf32> to vector<256x4096xf32>
    %le3A_581 = arith.cmpf ole, %select_n3A_576, %le3A_580 : vector<256x4096xf32>
    %jit3A_582 = arith.constant 1.000000e+09 : f32
    %broadcast_in_dim3A_583 = vector.broadcast %jit3A_582 : f32 to vector<256x4096xf32>
    %select_n3A_584 = arith.select %le3A_581, %convert_element_type3A_21, %broadcast_in_dim3A_583 : vector<256x4096xi1>, vector<256x4096xf32>
    %reduce_min3A_585 = arith.constant dense<0x7F800000> : vector<256xf32>
    %reduce_min3A_586 = vector.multi_reduction <minimumf>, %select_n3A_584, %reduce_min3A_585 [1] : vector<256x4096xf32> to vector<256xf32>
    %broadcast_in_dim3A_587 = vector.shape_cast %reduce_min3A_586 : vector<256xf32> to vector<256x1xf32>
    %concatenate3A = tpu.concatenate %broadcast_in_dim3A_28, %broadcast_in_dim3A_43, %broadcast_in_dim3A_59, %broadcast_in_dim3A_75, %broadcast_in_dim3A_91, %broadcast_in_dim3A_107, %broadcast_in_dim3A_123, %broadcast_in_dim3A_139, %broadcast_in_dim3A_155, %broadcast_in_dim3A_171, %broadcast_in_dim3A_187, %broadcast_in_dim3A_203, %broadcast_in_dim3A_219, %broadcast_in_dim3A_235, %broadcast_in_dim3A_251, %broadcast_in_dim3A_267, %broadcast_in_dim3A_283, %broadcast_in_dim3A_299, %broadcast_in_dim3A_315, %broadcast_in_dim3A_331, %broadcast_in_dim3A_347, %broadcast_in_dim3A_363, %broadcast_in_dim3A_379, %broadcast_in_dim3A_395, %broadcast_in_dim3A_411, %broadcast_in_dim3A_427, %broadcast_in_dim3A_443, %broadcast_in_dim3A_459, %broadcast_in_dim3A_475, %broadcast_in_dim3A_491, %broadcast_in_dim3A_507, %broadcast_in_dim3A_523, %broadcast_in_dim3A_539, %broadcast_in_dim3A_555, %broadcast_in_dim3A_571, %broadcast_in_dim3A_587 in 1 : vector<256x1xf32>, vector<256x1xf32>, vector<256x1xf32>, vector<256x1xf32>, vector<256x1xf32>, vector<256x1xf32>, vector<256x1xf32>, vector<256x1xf32>, vector<256x1xf32>, vector<256x1xf32>, vector<256x1xf32>, vector<256x1xf32>, vector<256x1xf32>, vector<256x1xf32>, vector<256x1xf32>, vector<256x1xf32>, vector<256x1xf32>, vector<256x1xf32>, vector<256x1xf32>, vector<256x1xf32>, vector<256x1xf32>, vector<256x1xf32>, vector<256x1xf32>, vector<256x1xf32>, vector<256x1xf32>, vector<256x1xf32>, vector<256x1xf32>, vector<256x1xf32>, vector<256x1xf32>, vector<256x1xf32>, vector<256x1xf32>, vector<256x1xf32>, vector<256x1xf32>, vector<256x1xf32>, vector<256x1xf32>, vector<256x1xf32> -> vector<256x36xf32>
    %convert_element_type3A_588 = arith.fptosi %concatenate3A : vector<256x36xf32> to vector<256x36xi32>
    %mul3A_589 = arith.constant 4096 : i32
    %mul3A_590 = arith.muli %arg0, %mul3A_589 : i32
    %add3A_591 = vector.broadcast %mul3A_590 : i32 to vector<256x36xi32>
    %add3A_592 = arith.addi %convert_element_type3A_588, %add3A_591 : vector<256x36xi32>
    %swap3A = arith.constant 0 : index
    %swap3A_593 = arith.constant 0 : index
    %swap3A_594 = arith.constant 0 : index
    %swap3A_595 = vector.load %arg4[%swap3A, %swap3A_593, %swap3A_594] : memref<1x256x36xi32, #tpu.memory_space<vmem>>, vector<1x256x36xi32>
    %swap3A_596 = vector.shape_cast %swap3A_595 : vector<1x256x36xi32> to vector<256x36xi32>
    %swap3A_597 = vector.shape_cast %add3A_592 : vector<256x36xi32> to vector<1x256x36xi32>
    tpu.vector_store %arg4[%swap3A, %swap3A_593, %swap3A_594], %swap3A_597 {strides = array<i32>} : memref<1x256x36xi32, #tpu.memory_space<vmem>>, vector<1x256x36xi32>,
    return
  }
  func.func @transform_0(%arg0: i32, %arg1: i32) -> (i32, i32, i32) {
    %c0_i32 = arith.constant 0 : i32
    %c0_i32_0 = arith.constant 0 : i32
    return %arg0, %arg1, %c0_i32 : i32, i32, i32
  }
  func.func @transform_1(%arg0: i32, %arg1: i32) -> (i32, i32, i32) {
    %c0_i32 = arith.constant 0 : i32
    %c0_i32_0 = arith.constant 0 : i32
    %c0_i32_1 = arith.constant 0 : i32
    return %arg0, %c0_i32, %c0_i32_0 : i32, i32, i32
  }
  func.func @transform_2(%arg0: i32, %arg1: i32) -> (i32, i32, i32) {
    %c0_i32 = arith.constant 0 : i32
    %c0_i32_0 = arith.constant 0 : i32
    return %arg0, %arg1, %c0_i32 : i32, i32, i32
  }
}

module attributes {stable_mosaic.version = 14 : i64} {
  func.func @_mlp_body(%arg0: i32, %arg1: memref<1024x128xf32, #tpu.memory_space<vmem>>, %arg2: memref<128x128xf32, #tpu.memory_space<vmem>>, %arg3: memref<1x128xf32, #tpu.memory_space<vmem>>, %arg4: memref<128x128xf32, #tpu.memory_space<vmem>>, %arg5: memref<1x128xf32, #tpu.memory_space<vmem>>, %arg6: memref<1024x128xf32, #tpu.memory_space<vmem>>) attributes {dimension_semantics = [#tpu.dimension_semantics<arbitrary>], iteration_bounds = array<i64: 8>, scalar_prefetch = 0 : i64, scratch_operands = 0 : i64, tpu.core_type = #tpu.core_type<tc>, window_params = [{transform_indices = @transform_0, window_bounds = array<i64: 1024, 128>}, {pipeline_mode = #tpu.pipeline_mode<synchronous>, transform_indices = @transform_1, window_bounds = array<i64: 128, 128>}, {pipeline_mode = #tpu.pipeline_mode<synchronous>, transform_indices = @transform_2, window_bounds = array<i64: 1, 128>}, {pipeline_mode = #tpu.pipeline_mode<synchronous>, transform_indices = @transform_3, window_bounds = array<i64: 128, 128>}, {pipeline_mode = #tpu.pipeline_mode<synchronous>, transform_indices = @transform_4, window_bounds = array<i64: 1, 128>}, {transform_indices = @transform_5, window_bounds = array<i64: 1024, 128>}]} {
    %get3A = arith.constant 0 : index
    %get3A_0 = arith.constant 0 : index
    %get3A_1 = vector.load %arg1[%get3A, %get3A_0] : memref<1024x128xf32, #tpu.memory_space<vmem>>, vector<1024x128xf32>
    %get3A_2 = arith.constant 0 : index
    %get3A_3 = arith.constant 0 : index
    %get3A_4 = vector.load %arg2[%get3A_2, %get3A_3] : memref<128x128xf32, #tpu.memory_space<vmem>>, vector<128x128xf32>
    %dot_general3A = arith.constant dense<0.000000e+00> : vector<1024x128xf32>
    %dot_general3A_5 = tpu.matmul %get3A_1, %get3A_4, %dot_general3A {dimension_numbers = #tpu.dot_dimension_numbers<[1], [0], [0], [1], [0, 0, 1, 1], [], []>, transpose_lhs_hint = false} : vector<1024x128xf32>, vector<128x128xf32>, vector<1024x128xf32> -> vector<1024x128xf32>
    %get3A_6 = arith.constant 0 : index
    %get3A_7 = arith.constant 0 : index
    %get3A_8 = vector.load %arg3[%get3A_6, %get3A_7] : memref<1x128xf32, #tpu.memory_space<vmem>>, vector<1x128xf32>
    %add3A = vector.broadcast %get3A_8 : vector<1x128xf32> to vector<1024x128xf32>
    %add3A_9 = arith.addf %dot_general3A_5, %add3A : vector<1024x128xf32>
    %max3A = arith.constant 0.000000e+00 : f32
    %max3A_10 = vector.broadcast %max3A : f32 to vector<1024x128xf32>
    %max3A_11 = arith.maximumf %add3A_9, %max3A_10 : vector<1024x128xf32>
    %get3A_12 = arith.constant 0 : index
    %get3A_13 = arith.constant 0 : index
    %get3A_14 = vector.load %arg4[%get3A_12, %get3A_13] : memref<128x128xf32, #tpu.memory_space<vmem>>, vector<128x128xf32>
    %dot_general3A_15 = arith.constant dense<0.000000e+00> : vector<1024x128xf32>
    %dot_general3A_16 = tpu.matmul %max3A_11, %get3A_14, %dot_general3A_15 {dimension_numbers = #tpu.dot_dimension_numbers<[1], [0], [0], [1], [0, 0, 1, 1], [], []>, transpose_lhs_hint = false} : vector<1024x128xf32>, vector<128x128xf32>, vector<1024x128xf32> -> vector<1024x128xf32>
    %get3A_17 = arith.constant 0 : index
    %get3A_18 = arith.constant 0 : index
    %get3A_19 = vector.load %arg5[%get3A_17, %get3A_18] : memref<1x128xf32, #tpu.memory_space<vmem>>, vector<1x128xf32>
    %add3A_20 = vector.broadcast %get3A_19 : vector<1x128xf32> to vector<1024x128xf32>
    %add3A_21 = arith.addf %dot_general3A_16, %add3A_20 : vector<1024x128xf32>
    %max3A_22 = arith.constant 0.000000e+00 : f32
    %max3A_23 = vector.broadcast %max3A_22 : f32 to vector<1024x128xf32>
    %max3A_24 = arith.maximumf %add3A_21, %max3A_23 : vector<1024x128xf32>
    %swap3A = arith.constant 0 : index
    %swap3A_25 = arith.constant 0 : index
    %swap3A_26 = vector.load %arg6[%swap3A, %swap3A_25] : memref<1024x128xf32, #tpu.memory_space<vmem>>, vector<1024x128xf32>
    tpu.vector_store %arg6[%swap3A, %swap3A_25], %max3A_24 {strides = array<i32>} : memref<1024x128xf32, #tpu.memory_space<vmem>>, vector<1024x128xf32>,
    return
  }
  func.func @transform_0(%arg0: i32) -> (i32, i32) {
    %c0_i32 = arith.constant 0 : i32
    %c0_i32_0 = arith.constant 0 : i32
    return %arg0, %c0_i32 : i32, i32
  }
  func.func @transform_1(%arg0: i32) -> (i32, i32) {
    %c0_i32 = arith.constant 0 : i32
    %c0_i32_0 = arith.constant 0 : i32
    %c0_i32_1 = arith.constant 0 : i32
    return %c0_i32, %c0_i32_0 : i32, i32
  }
  func.func @transform_2(%arg0: i32) -> (i32, i32) {
    %c0_i32 = arith.constant 0 : i32
    %c0_i32_0 = arith.constant 0 : i32
    %c0_i32_1 = arith.constant 0 : i32
    return %c0_i32, %c0_i32_0 : i32, i32
  }
  func.func @transform_3(%arg0: i32) -> (i32, i32) {
    %c0_i32 = arith.constant 0 : i32
    %c0_i32_0 = arith.constant 0 : i32
    %c0_i32_1 = arith.constant 0 : i32
    return %c0_i32, %c0_i32_0 : i32, i32
  }
  func.func @transform_4(%arg0: i32) -> (i32, i32) {
    %c0_i32 = arith.constant 0 : i32
    %c0_i32_0 = arith.constant 0 : i32
    %c0_i32_1 = arith.constant 0 : i32
    return %c0_i32, %c0_i32_0 : i32, i32
  }
  func.func @transform_5(%arg0: i32) -> (i32, i32) {
    %c0_i32 = arith.constant 0 : i32
    %c0_i32_0 = arith.constant 0 : i32
    return %arg0, %c0_i32 : i32, i32
  }
}

module attributes {stable_mosaic.version = 14 : i64} {
  func.func @_fused_body(%arg0: i32, %arg1: memref<9x2048x128xf32, #tpu.memory_space<vmem>>, %arg2: memref<2048x128xf32, #tpu.memory_space<vmem>>, %arg3: memref<128x128xf32, #tpu.memory_space<vmem>>, %arg4: memref<1x128xf32, #tpu.memory_space<vmem>>, %arg5: memref<9x128x32xf32, #tpu.memory_space<vmem>>, %arg6: memref<2048x32xf32, #tpu.memory_space<vmem>>) attributes {dimension_semantics = [#tpu.dimension_semantics<arbitrary>], iteration_bounds = array<i64: 16>, scalar_prefetch = 0 : i64, scratch_operands = 0 : i64, tpu.core_type = #tpu.core_type<tc>, window_params = [{transform_indices = @transform_0, window_bounds = array<i64: 9, 2048, 128>}, {transform_indices = @transform_1, window_bounds = array<i64: 2048, 128>}, {pipeline_mode = #tpu.pipeline_mode<synchronous>, transform_indices = @transform_2, window_bounds = array<i64: 128, 128>}, {pipeline_mode = #tpu.pipeline_mode<synchronous>, transform_indices = @transform_3, window_bounds = array<i64: 1, 128>}, {pipeline_mode = #tpu.pipeline_mode<synchronous>, transform_indices = @transform_4, window_bounds = array<i64: 9, 128, 32>}, {transform_indices = @transform_5, window_bounds = array<i64: 2048, 32>}]} {
    %get3A = arith.constant 0 : index
    %get3A_0 = arith.constant 0 : index
    %get3A_1 = vector.load %arg2[%get3A, %get3A_0] : memref<2048x128xf32, #tpu.memory_space<vmem>>, vector<2048x128xf32>
    %broadcast_in_dim3A = arith.constant 0.000000e+00 : f32
    %broadcast_in_dim3A_2 = vector.broadcast %broadcast_in_dim3A : f32 to vector<2048x32xf32>
    %broadcast_in_dim3A_3 = arith.constant 0.000000e+00 : f32
    %broadcast_in_dim3A_4 = vector.broadcast %broadcast_in_dim3A_3 : f32 to vector<2048x32xf32>
    %get3A_5 = arith.constant 0 : index
    %get3A_6 = arith.constant 0 : index
    %get3A_7 = arith.constant 0 : index
    %get3A_8 = vector.load %arg1[%get3A_5, %get3A_6, %get3A_7] : memref<9x2048x128xf32, #tpu.memory_space<vmem>>, vector<1x2048x128xf32>
    %get3A_9 = vector.shape_cast %get3A_8 : vector<1x2048x128xf32> to vector<2048x128xf32>
    %sub3A = arith.subf %get3A_9, %get3A_1 : vector<2048x128xf32>
    %get3A_10 = arith.constant 0 : index
    %get3A_11 = arith.constant 0 : index
    %get3A_12 = vector.load %arg3[%get3A_10, %get3A_11] : memref<128x128xf32, #tpu.memory_space<vmem>>, vector<128x128xf32>
    %dot_general3A = arith.constant dense<0.000000e+00> : vector<2048x128xf32>
    %dot_general3A_13 = tpu.matmul %sub3A, %get3A_12, %dot_general3A {dimension_numbers = #tpu.dot_dimension_numbers<[1], [0], [0], [1], [0, 0, 1, 1], [], []>, transpose_lhs_hint = false} : vector<2048x128xf32>, vector<128x128xf32>, vector<2048x128xf32> -> vector<2048x128xf32>
    %get3A_14 = arith.constant 0 : index
    %get3A_15 = arith.constant 0 : index
    %get3A_16 = vector.load %arg4[%get3A_14, %get3A_15] : memref<1x128xf32, #tpu.memory_space<vmem>>, vector<1x128xf32>
    %add3A = vector.broadcast %get3A_16 : vector<1x128xf32> to vector<2048x128xf32>
    %add3A_17 = arith.addf %dot_general3A_13, %add3A : vector<2048x128xf32>
    %mul3A = arith.constant 0.0883883461 : f32
    %mul3A_18 = vector.broadcast %mul3A : f32 to vector<2048x128xf32>
    %mul3A_19 = arith.mulf %add3A_17, %mul3A_18 : vector<2048x128xf32>
    %exp3A = math.exp %mul3A_19 : vector<2048x128xf32>
    %get3A_20 = arith.constant 0 : index
    %get3A_21 = arith.constant 0 : index
    %get3A_22 = arith.constant 0 : index
    %get3A_23 = vector.load %arg5[%get3A_20, %get3A_21, %get3A_22] : memref<9x128x32xf32, #tpu.memory_space<vmem>>, vector<1x128x32xf32>
    %get3A_24 = vector.shape_cast %get3A_23 : vector<1x128x32xf32> to vector<128x32xf32>
    %dot_general3A_25 = arith.constant dense<0.000000e+00> : vector<2048x32xf32>
    %dot_general3A_26 = tpu.matmul %exp3A, %get3A_24, %dot_general3A_25 {dimension_numbers = #tpu.dot_dimension_numbers<[1], [0], [0], [1], [0, 0, 1, 1], [], []>, transpose_lhs_hint = false} : vector<2048x128xf32>, vector<128x32xf32>, vector<2048x32xf32> -> vector<2048x32xf32>
    %add3A_27 = arith.addf %broadcast_in_dim3A_2, %dot_general3A_26 : vector<2048x32xf32>
    %mul3A_28 = arith.mulf %exp3A, %get3A_9 : vector<2048x128xf32>
    %dot_general3A_29 = arith.constant dense<0.000000e+00> : vector<2048x32xf32>
    %dot_general3A_30 = tpu.matmul %mul3A_28, %get3A_24, %dot_general3A_29 {dimension_numbers = #tpu.dot_dimension_numbers<[1], [0], [0], [1], [0, 0, 1, 1], [], []>, transpose_lhs_hint = false} : vector<2048x128xf32>, vector<128x32xf32>, vector<2048x32xf32> -> vector<2048x32xf32>
    %add3A_31 = arith.addf %broadcast_in_dim3A_4, %dot_general3A_30 : vector<2048x32xf32>
    %get3A_32 = arith.constant 1 : index
    %get3A_33 = arith.constant 0 : index
    %get3A_34 = arith.constant 0 : index
    %get3A_35 = vector.load %arg1[%get3A_32, %get3A_33, %get3A_34] : memref<9x2048x128xf32, #tpu.memory_space<vmem>>, vector<1x2048x128xf32>
    %get3A_36 = vector.shape_cast %get3A_35 : vector<1x2048x128xf32> to vector<2048x128xf32>
    %sub3A_37 = arith.subf %get3A_36, %get3A_1 : vector<2048x128xf32>
    %get3A_38 = arith.constant 0 : index
    %get3A_39 = arith.constant 0 : index
    %get3A_40 = vector.load %arg3[%get3A_38, %get3A_39] : memref<128x128xf32, #tpu.memory_space<vmem>>, vector<128x128xf32>
    %dot_general3A_41 = arith.constant dense<0.000000e+00> : vector<2048x128xf32>
    %dot_general3A_42 = tpu.matmul %sub3A_37, %get3A_40, %dot_general3A_41 {dimension_numbers = #tpu.dot_dimension_numbers<[1], [0], [0], [1], [0, 0, 1, 1], [], []>, transpose_lhs_hint = false} : vector<2048x128xf32>, vector<128x128xf32>, vector<2048x128xf32> -> vector<2048x128xf32>
    %get3A_43 = arith.constant 0 : index
    %get3A_44 = arith.constant 0 : index
    %get3A_45 = vector.load %arg4[%get3A_43, %get3A_44] : memref<1x128xf32, #tpu.memory_space<vmem>>, vector<1x128xf32>
    %add3A_46 = vector.broadcast %get3A_45 : vector<1x128xf32> to vector<2048x128xf32>
    %add3A_47 = arith.addf %dot_general3A_42, %add3A_46 : vector<2048x128xf32>
    %mul3A_48 = arith.constant 0.0883883461 : f32
    %mul3A_49 = vector.broadcast %mul3A_48 : f32 to vector<2048x128xf32>
    %mul3A_50 = arith.mulf %add3A_47, %mul3A_49 : vector<2048x128xf32>
    %exp3A_51 = math.exp %mul3A_50 : vector<2048x128xf32>
    %get3A_52 = arith.constant 1 : index
    %get3A_53 = arith.constant 0 : index
    %get3A_54 = arith.constant 0 : index
    %get3A_55 = vector.load %arg5[%get3A_52, %get3A_53, %get3A_54] : memref<9x128x32xf32, #tpu.memory_space<vmem>>, vector<1x128x32xf32>
    %get3A_56 = vector.shape_cast %get3A_55 : vector<1x128x32xf32> to vector<128x32xf32>
    %dot_general3A_57 = arith.constant dense<0.000000e+00> : vector<2048x32xf32>
    %dot_general3A_58 = tpu.matmul %exp3A_51, %get3A_56, %dot_general3A_57 {dimension_numbers = #tpu.dot_dimension_numbers<[1], [0], [0], [1], [0, 0, 1, 1], [], []>, transpose_lhs_hint = false} : vector<2048x128xf32>, vector<128x32xf32>, vector<2048x32xf32> -> vector<2048x32xf32>
    %add3A_59 = arith.addf %add3A_27, %dot_general3A_58 : vector<2048x32xf32>
    %mul3A_60 = arith.mulf %exp3A_51, %get3A_36 : vector<2048x128xf32>
    %dot_general3A_61 = arith.constant dense<0.000000e+00> : vector<2048x32xf32>
    %dot_general3A_62 = tpu.matmul %mul3A_60, %get3A_56, %dot_general3A_61 {dimension_numbers = #tpu.dot_dimension_numbers<[1], [0], [0], [1], [0, 0, 1, 1], [], []>, transpose_lhs_hint = false} : vector<2048x128xf32>, vector<128x32xf32>, vector<2048x32xf32> -> vector<2048x32xf32>
    %add3A_63 = arith.addf %add3A_31, %dot_general3A_62 : vector<2048x32xf32>
    %get3A_64 = arith.constant 2 : index
    %get3A_65 = arith.constant 0 : index
    %get3A_66 = arith.constant 0 : index
    %get3A_67 = vector.load %arg1[%get3A_64, %get3A_65, %get3A_66] : memref<9x2048x128xf32, #tpu.memory_space<vmem>>, vector<1x2048x128xf32>
    %get3A_68 = vector.shape_cast %get3A_67 : vector<1x2048x128xf32> to vector<2048x128xf32>
    %sub3A_69 = arith.subf %get3A_68, %get3A_1 : vector<2048x128xf32>
    %get3A_70 = arith.constant 0 : index
    %get3A_71 = arith.constant 0 : index
    %get3A_72 = vector.load %arg3[%get3A_70, %get3A_71] : memref<128x128xf32, #tpu.memory_space<vmem>>, vector<128x128xf32>
    %dot_general3A_73 = arith.constant dense<0.000000e+00> : vector<2048x128xf32>
    %dot_general3A_74 = tpu.matmul %sub3A_69, %get3A_72, %dot_general3A_73 {dimension_numbers = #tpu.dot_dimension_numbers<[1], [0], [0], [1], [0, 0, 1, 1], [], []>, transpose_lhs_hint = false} : vector<2048x128xf32>, vector<128x128xf32>, vector<2048x128xf32> -> vector<2048x128xf32>
    %get3A_75 = arith.constant 0 : index
    %get3A_76 = arith.constant 0 : index
    %get3A_77 = vector.load %arg4[%get3A_75, %get3A_76] : memref<1x128xf32, #tpu.memory_space<vmem>>, vector<1x128xf32>
    %add3A_78 = vector.broadcast %get3A_77 : vector<1x128xf32> to vector<2048x128xf32>
    %add3A_79 = arith.addf %dot_general3A_74, %add3A_78 : vector<2048x128xf32>
    %mul3A_80 = arith.constant 0.0883883461 : f32
    %mul3A_81 = vector.broadcast %mul3A_80 : f32 to vector<2048x128xf32>
    %mul3A_82 = arith.mulf %add3A_79, %mul3A_81 : vector<2048x128xf32>
    %exp3A_83 = math.exp %mul3A_82 : vector<2048x128xf32>
    %get3A_84 = arith.constant 2 : index
    %get3A_85 = arith.constant 0 : index
    %get3A_86 = arith.constant 0 : index
    %get3A_87 = vector.load %arg5[%get3A_84, %get3A_85, %get3A_86] : memref<9x128x32xf32, #tpu.memory_space<vmem>>, vector<1x128x32xf32>
    %get3A_88 = vector.shape_cast %get3A_87 : vector<1x128x32xf32> to vector<128x32xf32>
    %dot_general3A_89 = arith.constant dense<0.000000e+00> : vector<2048x32xf32>
    %dot_general3A_90 = tpu.matmul %exp3A_83, %get3A_88, %dot_general3A_89 {dimension_numbers = #tpu.dot_dimension_numbers<[1], [0], [0], [1], [0, 0, 1, 1], [], []>, transpose_lhs_hint = false} : vector<2048x128xf32>, vector<128x32xf32>, vector<2048x32xf32> -> vector<2048x32xf32>
    %add3A_91 = arith.addf %add3A_59, %dot_general3A_90 : vector<2048x32xf32>
    %mul3A_92 = arith.mulf %exp3A_83, %get3A_68 : vector<2048x128xf32>
    %dot_general3A_93 = arith.constant dense<0.000000e+00> : vector<2048x32xf32>
    %dot_general3A_94 = tpu.matmul %mul3A_92, %get3A_88, %dot_general3A_93 {dimension_numbers = #tpu.dot_dimension_numbers<[1], [0], [0], [1], [0, 0, 1, 1], [], []>, transpose_lhs_hint = false} : vector<2048x128xf32>, vector<128x32xf32>, vector<2048x32xf32> -> vector<2048x32xf32>
    %add3A_95 = arith.addf %add3A_63, %dot_general3A_94 : vector<2048x32xf32>
    %get3A_96 = arith.constant 3 : index
    %get3A_97 = arith.constant 0 : index
    %get3A_98 = arith.constant 0 : index
    %get3A_99 = vector.load %arg1[%get3A_96, %get3A_97, %get3A_98] : memref<9x2048x128xf32, #tpu.memory_space<vmem>>, vector<1x2048x128xf32>
    %get3A_100 = vector.shape_cast %get3A_99 : vector<1x2048x128xf32> to vector<2048x128xf32>
    %sub3A_101 = arith.subf %get3A_100, %get3A_1 : vector<2048x128xf32>
    %get3A_102 = arith.constant 0 : index
    %get3A_103 = arith.constant 0 : index
    %get3A_104 = vector.load %arg3[%get3A_102, %get3A_103] : memref<128x128xf32, #tpu.memory_space<vmem>>, vector<128x128xf32>
    %dot_general3A_105 = arith.constant dense<0.000000e+00> : vector<2048x128xf32>
    %dot_general3A_106 = tpu.matmul %sub3A_101, %get3A_104, %dot_general3A_105 {dimension_numbers = #tpu.dot_dimension_numbers<[1], [0], [0], [1], [0, 0, 1, 1], [], []>, transpose_lhs_hint = false} : vector<2048x128xf32>, vector<128x128xf32>, vector<2048x128xf32> -> vector<2048x128xf32>
    %get3A_107 = arith.constant 0 : index
    %get3A_108 = arith.constant 0 : index
    %get3A_109 = vector.load %arg4[%get3A_107, %get3A_108] : memref<1x128xf32, #tpu.memory_space<vmem>>, vector<1x128xf32>
    %add3A_110 = vector.broadcast %get3A_109 : vector<1x128xf32> to vector<2048x128xf32>
    %add3A_111 = arith.addf %dot_general3A_106, %add3A_110 : vector<2048x128xf32>
    %mul3A_112 = arith.constant 0.0883883461 : f32
    %mul3A_113 = vector.broadcast %mul3A_112 : f32 to vector<2048x128xf32>
    %mul3A_114 = arith.mulf %add3A_111, %mul3A_113 : vector<2048x128xf32>
    %exp3A_115 = math.exp %mul3A_114 : vector<2048x128xf32>
    %get3A_116 = arith.constant 3 : index
    %get3A_117 = arith.constant 0 : index
    %get3A_118 = arith.constant 0 : index
    %get3A_119 = vector.load %arg5[%get3A_116, %get3A_117, %get3A_118] : memref<9x128x32xf32, #tpu.memory_space<vmem>>, vector<1x128x32xf32>
    %get3A_120 = vector.shape_cast %get3A_119 : vector<1x128x32xf32> to vector<128x32xf32>
    %dot_general3A_121 = arith.constant dense<0.000000e+00> : vector<2048x32xf32>
    %dot_general3A_122 = tpu.matmul %exp3A_115, %get3A_120, %dot_general3A_121 {dimension_numbers = #tpu.dot_dimension_numbers<[1], [0], [0], [1], [0, 0, 1, 1], [], []>, transpose_lhs_hint = false} : vector<2048x128xf32>, vector<128x32xf32>, vector<2048x32xf32> -> vector<2048x32xf32>
    %add3A_123 = arith.addf %add3A_91, %dot_general3A_122 : vector<2048x32xf32>
    %mul3A_124 = arith.mulf %exp3A_115, %get3A_100 : vector<2048x128xf32>
    %dot_general3A_125 = arith.constant dense<0.000000e+00> : vector<2048x32xf32>
    %dot_general3A_126 = tpu.matmul %mul3A_124, %get3A_120, %dot_general3A_125 {dimension_numbers = #tpu.dot_dimension_numbers<[1], [0], [0], [1], [0, 0, 1, 1], [], []>, transpose_lhs_hint = false} : vector<2048x128xf32>, vector<128x32xf32>, vector<2048x32xf32> -> vector<2048x32xf32>
    %add3A_127 = arith.addf %add3A_95, %dot_general3A_126 : vector<2048x32xf32>
    %get3A_128 = arith.constant 4 : index
    %get3A_129 = arith.constant 0 : index
    %get3A_130 = arith.constant 0 : index
    %get3A_131 = vector.load %arg1[%get3A_128, %get3A_129, %get3A_130] : memref<9x2048x128xf32, #tpu.memory_space<vmem>>, vector<1x2048x128xf32>
    %get3A_132 = vector.shape_cast %get3A_131 : vector<1x2048x128xf32> to vector<2048x128xf32>
    %sub3A_133 = arith.subf %get3A_132, %get3A_1 : vector<2048x128xf32>
    %get3A_134 = arith.constant 0 : index
    %get3A_135 = arith.constant 0 : index
    %get3A_136 = vector.load %arg3[%get3A_134, %get3A_135] : memref<128x128xf32, #tpu.memory_space<vmem>>, vector<128x128xf32>
    %dot_general3A_137 = arith.constant dense<0.000000e+00> : vector<2048x128xf32>
    %dot_general3A_138 = tpu.matmul %sub3A_133, %get3A_136, %dot_general3A_137 {dimension_numbers = #tpu.dot_dimension_numbers<[1], [0], [0], [1], [0, 0, 1, 1], [], []>, transpose_lhs_hint = false} : vector<2048x128xf32>, vector<128x128xf32>, vector<2048x128xf32> -> vector<2048x128xf32>
    %get3A_139 = arith.constant 0 : index
    %get3A_140 = arith.constant 0 : index
    %get3A_141 = vector.load %arg4[%get3A_139, %get3A_140] : memref<1x128xf32, #tpu.memory_space<vmem>>, vector<1x128xf32>
    %add3A_142 = vector.broadcast %get3A_141 : vector<1x128xf32> to vector<2048x128xf32>
    %add3A_143 = arith.addf %dot_general3A_138, %add3A_142 : vector<2048x128xf32>
    %mul3A_144 = arith.constant 0.0883883461 : f32
    %mul3A_145 = vector.broadcast %mul3A_144 : f32 to vector<2048x128xf32>
    %mul3A_146 = arith.mulf %add3A_143, %mul3A_145 : vector<2048x128xf32>
    %exp3A_147 = math.exp %mul3A_146 : vector<2048x128xf32>
    %get3A_148 = arith.constant 4 : index
    %get3A_149 = arith.constant 0 : index
    %get3A_150 = arith.constant 0 : index
    %get3A_151 = vector.load %arg5[%get3A_148, %get3A_149, %get3A_150] : memref<9x128x32xf32, #tpu.memory_space<vmem>>, vector<1x128x32xf32>
    %get3A_152 = vector.shape_cast %get3A_151 : vector<1x128x32xf32> to vector<128x32xf32>
    %dot_general3A_153 = arith.constant dense<0.000000e+00> : vector<2048x32xf32>
    %dot_general3A_154 = tpu.matmul %exp3A_147, %get3A_152, %dot_general3A_153 {dimension_numbers = #tpu.dot_dimension_numbers<[1], [0], [0], [1], [0, 0, 1, 1], [], []>, transpose_lhs_hint = false} : vector<2048x128xf32>, vector<128x32xf32>, vector<2048x32xf32> -> vector<2048x32xf32>
    %add3A_155 = arith.addf %add3A_123, %dot_general3A_154 : vector<2048x32xf32>
    %mul3A_156 = arith.mulf %exp3A_147, %get3A_132 : vector<2048x128xf32>
    %dot_general3A_157 = arith.constant dense<0.000000e+00> : vector<2048x32xf32>
    %dot_general3A_158 = tpu.matmul %mul3A_156, %get3A_152, %dot_general3A_157 {dimension_numbers = #tpu.dot_dimension_numbers<[1], [0], [0], [1], [0, 0, 1, 1], [], []>, transpose_lhs_hint = false} : vector<2048x128xf32>, vector<128x32xf32>, vector<2048x32xf32> -> vector<2048x32xf32>
    %add3A_159 = arith.addf %add3A_127, %dot_general3A_158 : vector<2048x32xf32>
    %get3A_160 = arith.constant 5 : index
    %get3A_161 = arith.constant 0 : index
    %get3A_162 = arith.constant 0 : index
    %get3A_163 = vector.load %arg1[%get3A_160, %get3A_161, %get3A_162] : memref<9x2048x128xf32, #tpu.memory_space<vmem>>, vector<1x2048x128xf32>
    %get3A_164 = vector.shape_cast %get3A_163 : vector<1x2048x128xf32> to vector<2048x128xf32>
    %sub3A_165 = arith.subf %get3A_164, %get3A_1 : vector<2048x128xf32>
    %get3A_166 = arith.constant 0 : index
    %get3A_167 = arith.constant 0 : index
    %get3A_168 = vector.load %arg3[%get3A_166, %get3A_167] : memref<128x128xf32, #tpu.memory_space<vmem>>, vector<128x128xf32>
    %dot_general3A_169 = arith.constant dense<0.000000e+00> : vector<2048x128xf32>
    %dot_general3A_170 = tpu.matmul %sub3A_165, %get3A_168, %dot_general3A_169 {dimension_numbers = #tpu.dot_dimension_numbers<[1], [0], [0], [1], [0, 0, 1, 1], [], []>, transpose_lhs_hint = false} : vector<2048x128xf32>, vector<128x128xf32>, vector<2048x128xf32> -> vector<2048x128xf32>
    %get3A_171 = arith.constant 0 : index
    %get3A_172 = arith.constant 0 : index
    %get3A_173 = vector.load %arg4[%get3A_171, %get3A_172] : memref<1x128xf32, #tpu.memory_space<vmem>>, vector<1x128xf32>
    %add3A_174 = vector.broadcast %get3A_173 : vector<1x128xf32> to vector<2048x128xf32>
    %add3A_175 = arith.addf %dot_general3A_170, %add3A_174 : vector<2048x128xf32>
    %mul3A_176 = arith.constant 0.0883883461 : f32
    %mul3A_177 = vector.broadcast %mul3A_176 : f32 to vector<2048x128xf32>
    %mul3A_178 = arith.mulf %add3A_175, %mul3A_177 : vector<2048x128xf32>
    %exp3A_179 = math.exp %mul3A_178 : vector<2048x128xf32>
    %get3A_180 = arith.constant 5 : index
    %get3A_181 = arith.constant 0 : index
    %get3A_182 = arith.constant 0 : index
    %get3A_183 = vector.load %arg5[%get3A_180, %get3A_181, %get3A_182] : memref<9x128x32xf32, #tpu.memory_space<vmem>>, vector<1x128x32xf32>
    %get3A_184 = vector.shape_cast %get3A_183 : vector<1x128x32xf32> to vector<128x32xf32>
    %dot_general3A_185 = arith.constant dense<0.000000e+00> : vector<2048x32xf32>
    %dot_general3A_186 = tpu.matmul %exp3A_179, %get3A_184, %dot_general3A_185 {dimension_numbers = #tpu.dot_dimension_numbers<[1], [0], [0], [1], [0, 0, 1, 1], [], []>, transpose_lhs_hint = false} : vector<2048x128xf32>, vector<128x32xf32>, vector<2048x32xf32> -> vector<2048x32xf32>
    %add3A_187 = arith.addf %add3A_155, %dot_general3A_186 : vector<2048x32xf32>
    %mul3A_188 = arith.mulf %exp3A_179, %get3A_164 : vector<2048x128xf32>
    %dot_general3A_189 = arith.constant dense<0.000000e+00> : vector<2048x32xf32>
    %dot_general3A_190 = tpu.matmul %mul3A_188, %get3A_184, %dot_general3A_189 {dimension_numbers = #tpu.dot_dimension_numbers<[1], [0], [0], [1], [0, 0, 1, 1], [], []>, transpose_lhs_hint = false} : vector<2048x128xf32>, vector<128x32xf32>, vector<2048x32xf32> -> vector<2048x32xf32>
    %add3A_191 = arith.addf %add3A_159, %dot_general3A_190 : vector<2048x32xf32>
    %get3A_192 = arith.constant 6 : index
    %get3A_193 = arith.constant 0 : index
    %get3A_194 = arith.constant 0 : index
    %get3A_195 = vector.load %arg1[%get3A_192, %get3A_193, %get3A_194] : memref<9x2048x128xf32, #tpu.memory_space<vmem>>, vector<1x2048x128xf32>
    %get3A_196 = vector.shape_cast %get3A_195 : vector<1x2048x128xf32> to vector<2048x128xf32>
    %sub3A_197 = arith.subf %get3A_196, %get3A_1 : vector<2048x128xf32>
    %get3A_198 = arith.constant 0 : index
    %get3A_199 = arith.constant 0 : index
    %get3A_200 = vector.load %arg3[%get3A_198, %get3A_199] : memref<128x128xf32, #tpu.memory_space<vmem>>, vector<128x128xf32>
    %dot_general3A_201 = arith.constant dense<0.000000e+00> : vector<2048x128xf32>
    %dot_general3A_202 = tpu.matmul %sub3A_197, %get3A_200, %dot_general3A_201 {dimension_numbers = #tpu.dot_dimension_numbers<[1], [0], [0], [1], [0, 0, 1, 1], [], []>, transpose_lhs_hint = false} : vector<2048x128xf32>, vector<128x128xf32>, vector<2048x128xf32> -> vector<2048x128xf32>
    %get3A_203 = arith.constant 0 : index
    %get3A_204 = arith.constant 0 : index
    %get3A_205 = vector.load %arg4[%get3A_203, %get3A_204] : memref<1x128xf32, #tpu.memory_space<vmem>>, vector<1x128xf32>
    %add3A_206 = vector.broadcast %get3A_205 : vector<1x128xf32> to vector<2048x128xf32>
    %add3A_207 = arith.addf %dot_general3A_202, %add3A_206 : vector<2048x128xf32>
    %mul3A_208 = arith.constant 0.0883883461 : f32
    %mul3A_209 = vector.broadcast %mul3A_208 : f32 to vector<2048x128xf32>
    %mul3A_210 = arith.mulf %add3A_207, %mul3A_209 : vector<2048x128xf32>
    %exp3A_211 = math.exp %mul3A_210 : vector<2048x128xf32>
    %get3A_212 = arith.constant 6 : index
    %get3A_213 = arith.constant 0 : index
    %get3A_214 = arith.constant 0 : index
    %get3A_215 = vector.load %arg5[%get3A_212, %get3A_213, %get3A_214] : memref<9x128x32xf32, #tpu.memory_space<vmem>>, vector<1x128x32xf32>
    %get3A_216 = vector.shape_cast %get3A_215 : vector<1x128x32xf32> to vector<128x32xf32>
    %dot_general3A_217 = arith.constant dense<0.000000e+00> : vector<2048x32xf32>
    %dot_general3A_218 = tpu.matmul %exp3A_211, %get3A_216, %dot_general3A_217 {dimension_numbers = #tpu.dot_dimension_numbers<[1], [0], [0], [1], [0, 0, 1, 1], [], []>, transpose_lhs_hint = false} : vector<2048x128xf32>, vector<128x32xf32>, vector<2048x32xf32> -> vector<2048x32xf32>
    %add3A_219 = arith.addf %add3A_187, %dot_general3A_218 : vector<2048x32xf32>
    %mul3A_220 = arith.mulf %exp3A_211, %get3A_196 : vector<2048x128xf32>
    %dot_general3A_221 = arith.constant dense<0.000000e+00> : vector<2048x32xf32>
    %dot_general3A_222 = tpu.matmul %mul3A_220, %get3A_216, %dot_general3A_221 {dimension_numbers = #tpu.dot_dimension_numbers<[1], [0], [0], [1], [0, 0, 1, 1], [], []>, transpose_lhs_hint = false} : vector<2048x128xf32>, vector<128x32xf32>, vector<2048x32xf32> -> vector<2048x32xf32>
    %add3A_223 = arith.addf %add3A_191, %dot_general3A_222 : vector<2048x32xf32>
    %get3A_224 = arith.constant 7 : index
    %get3A_225 = arith.constant 0 : index
    %get3A_226 = arith.constant 0 : index
    %get3A_227 = vector.load %arg1[%get3A_224, %get3A_225, %get3A_226] : memref<9x2048x128xf32, #tpu.memory_space<vmem>>, vector<1x2048x128xf32>
    %get3A_228 = vector.shape_cast %get3A_227 : vector<1x2048x128xf32> to vector<2048x128xf32>
    %sub3A_229 = arith.subf %get3A_228, %get3A_1 : vector<2048x128xf32>
    %get3A_230 = arith.constant 0 : index
    %get3A_231 = arith.constant 0 : index
    %get3A_232 = vector.load %arg3[%get3A_230, %get3A_231] : memref<128x128xf32, #tpu.memory_space<vmem>>, vector<128x128xf32>
    %dot_general3A_233 = arith.constant dense<0.000000e+00> : vector<2048x128xf32>
    %dot_general3A_234 = tpu.matmul %sub3A_229, %get3A_232, %dot_general3A_233 {dimension_numbers = #tpu.dot_dimension_numbers<[1], [0], [0], [1], [0, 0, 1, 1], [], []>, transpose_lhs_hint = false} : vector<2048x128xf32>, vector<128x128xf32>, vector<2048x128xf32> -> vector<2048x128xf32>
    %get3A_235 = arith.constant 0 : index
    %get3A_236 = arith.constant 0 : index
    %get3A_237 = vector.load %arg4[%get3A_235, %get3A_236] : memref<1x128xf32, #tpu.memory_space<vmem>>, vector<1x128xf32>
    %add3A_238 = vector.broadcast %get3A_237 : vector<1x128xf32> to vector<2048x128xf32>
    %add3A_239 = arith.addf %dot_general3A_234, %add3A_238 : vector<2048x128xf32>
    %mul3A_240 = arith.constant 0.0883883461 : f32
    %mul3A_241 = vector.broadcast %mul3A_240 : f32 to vector<2048x128xf32>
    %mul3A_242 = arith.mulf %add3A_239, %mul3A_241 : vector<2048x128xf32>
    %exp3A_243 = math.exp %mul3A_242 : vector<2048x128xf32>
    %get3A_244 = arith.constant 7 : index
    %get3A_245 = arith.constant 0 : index
    %get3A_246 = arith.constant 0 : index
    %get3A_247 = vector.load %arg5[%get3A_244, %get3A_245, %get3A_246] : memref<9x128x32xf32, #tpu.memory_space<vmem>>, vector<1x128x32xf32>
    %get3A_248 = vector.shape_cast %get3A_247 : vector<1x128x32xf32> to vector<128x32xf32>
    %dot_general3A_249 = arith.constant dense<0.000000e+00> : vector<2048x32xf32>
    %dot_general3A_250 = tpu.matmul %exp3A_243, %get3A_248, %dot_general3A_249 {dimension_numbers = #tpu.dot_dimension_numbers<[1], [0], [0], [1], [0, 0, 1, 1], [], []>, transpose_lhs_hint = false} : vector<2048x128xf32>, vector<128x32xf32>, vector<2048x32xf32> -> vector<2048x32xf32>
    %add3A_251 = arith.addf %add3A_219, %dot_general3A_250 : vector<2048x32xf32>
    %mul3A_252 = arith.mulf %exp3A_243, %get3A_228 : vector<2048x128xf32>
    %dot_general3A_253 = arith.constant dense<0.000000e+00> : vector<2048x32xf32>
    %dot_general3A_254 = tpu.matmul %mul3A_252, %get3A_248, %dot_general3A_253 {dimension_numbers = #tpu.dot_dimension_numbers<[1], [0], [0], [1], [0, 0, 1, 1], [], []>, transpose_lhs_hint = false} : vector<2048x128xf32>, vector<128x32xf32>, vector<2048x32xf32> -> vector<2048x32xf32>
    %add3A_255 = arith.addf %add3A_223, %dot_general3A_254 : vector<2048x32xf32>
    %get3A_256 = arith.constant 8 : index
    %get3A_257 = arith.constant 0 : index
    %get3A_258 = arith.constant 0 : index
    %get3A_259 = vector.load %arg1[%get3A_256, %get3A_257, %get3A_258] : memref<9x2048x128xf32, #tpu.memory_space<vmem>>, vector<1x2048x128xf32>
    %get3A_260 = vector.shape_cast %get3A_259 : vector<1x2048x128xf32> to vector<2048x128xf32>
    %sub3A_261 = arith.subf %get3A_260, %get3A_1 : vector<2048x128xf32>
    %get3A_262 = arith.constant 0 : index
    %get3A_263 = arith.constant 0 : index
    %get3A_264 = vector.load %arg3[%get3A_262, %get3A_263] : memref<128x128xf32, #tpu.memory_space<vmem>>, vector<128x128xf32>
    %dot_general3A_265 = arith.constant dense<0.000000e+00> : vector<2048x128xf32>
    %dot_general3A_266 = tpu.matmul %sub3A_261, %get3A_264, %dot_general3A_265 {dimension_numbers = #tpu.dot_dimension_numbers<[1], [0], [0], [1], [0, 0, 1, 1], [], []>, transpose_lhs_hint = false} : vector<2048x128xf32>, vector<128x128xf32>, vector<2048x128xf32> -> vector<2048x128xf32>
    %get3A_267 = arith.constant 0 : index
    %get3A_268 = arith.constant 0 : index
    %get3A_269 = vector.load %arg4[%get3A_267, %get3A_268] : memref<1x128xf32, #tpu.memory_space<vmem>>, vector<1x128xf32>
    %add3A_270 = vector.broadcast %get3A_269 : vector<1x128xf32> to vector<2048x128xf32>
    %add3A_271 = arith.addf %dot_general3A_266, %add3A_270 : vector<2048x128xf32>
    %mul3A_272 = arith.constant 0.0883883461 : f32
    %mul3A_273 = vector.broadcast %mul3A_272 : f32 to vector<2048x128xf32>
    %mul3A_274 = arith.mulf %add3A_271, %mul3A_273 : vector<2048x128xf32>
    %exp3A_275 = math.exp %mul3A_274 : vector<2048x128xf32>
    %get3A_276 = arith.constant 8 : index
    %get3A_277 = arith.constant 0 : index
    %get3A_278 = arith.constant 0 : index
    %get3A_279 = vector.load %arg5[%get3A_276, %get3A_277, %get3A_278] : memref<9x128x32xf32, #tpu.memory_space<vmem>>, vector<1x128x32xf32>
    %get3A_280 = vector.shape_cast %get3A_279 : vector<1x128x32xf32> to vector<128x32xf32>
    %dot_general3A_281 = arith.constant dense<0.000000e+00> : vector<2048x32xf32>
    %dot_general3A_282 = tpu.matmul %exp3A_275, %get3A_280, %dot_general3A_281 {dimension_numbers = #tpu.dot_dimension_numbers<[1], [0], [0], [1], [0, 0, 1, 1], [], []>, transpose_lhs_hint = false} : vector<2048x128xf32>, vector<128x32xf32>, vector<2048x32xf32> -> vector<2048x32xf32>
    %add3A_283 = arith.addf %add3A_251, %dot_general3A_282 : vector<2048x32xf32>
    %mul3A_284 = arith.mulf %exp3A_275, %get3A_260 : vector<2048x128xf32>
    %dot_general3A_285 = arith.constant dense<0.000000e+00> : vector<2048x32xf32>
    %dot_general3A_286 = tpu.matmul %mul3A_284, %get3A_280, %dot_general3A_285 {dimension_numbers = #tpu.dot_dimension_numbers<[1], [0], [0], [1], [0, 0, 1, 1], [], []>, transpose_lhs_hint = false} : vector<2048x128xf32>, vector<128x32xf32>, vector<2048x32xf32> -> vector<2048x32xf32>
    %add3A_287 = arith.addf %add3A_255, %dot_general3A_286 : vector<2048x32xf32>
    %div3A = arith.divf %add3A_287, %add3A_283 : vector<2048x32xf32>
    %swap3A = arith.constant 0 : index
    %swap3A_288 = arith.constant 0 : index
    %swap3A_289 = vector.load %arg6[%swap3A, %swap3A_288] : memref<2048x32xf32, #tpu.memory_space<vmem>>, vector<2048x32xf32>
    tpu.vector_store %arg6[%swap3A, %swap3A_288], %div3A {strides = array<i32>} : memref<2048x32xf32, #tpu.memory_space<vmem>>, vector<2048x32xf32>,
    return
  }
  func.func @transform_0(%arg0: i32) -> (i32, i32, i32) {
    %c0_i32 = arith.constant 0 : i32
    %c0_i32_0 = arith.constant 0 : i32
    %c0_i32_1 = arith.constant 0 : i32
    return %c0_i32, %arg0, %c0_i32_0 : i32, i32, i32
  }
  func.func @transform_1(%arg0: i32) -> (i32, i32) {
    %jit3A = arith.constant 4 : i32
    %eq3A = arith.constant 0 : i32
    %eq3A_0 = arith.cmpi eq, %jit3A, %eq3A : i32
    %jit3A_1 = arith.constant 1 : i32
    %select_n3A = arith.select %eq3A_0, %jit3A_1, %jit3A : i32
    %rem3A = arith.remsi %arg0, %select_n3A : i32
    %ne3A = arith.constant 0 : i32
    %ne3A_2 = arith.cmpi ne, %rem3A, %ne3A : i32
    %lt3A = arith.constant 0 : i32
    %lt3A_3 = arith.cmpi slt, %rem3A, %lt3A : i32
    %lt3A_4 = arith.constant 0 : i32
    %lt3A_5 = arith.cmpi slt, %select_n3A, %lt3A_4 : i32
    %ne3A_6 = arith.xori %lt3A_3, %lt3A_5 : i1
    %and3A = arith.andi %ne3A_6, %ne3A_2 : i1
    %add3A = arith.addi %rem3A, %select_n3A : i32
    %select_n3A_7 = arith.select %and3A, %add3A, %rem3A : i32
    %c0_i32 = arith.constant 0 : i32
    %c0_i32_8 = arith.constant 0 : i32
    return %select_n3A_7, %c0_i32 : i32, i32
  }
  func.func @transform_2(%arg0: i32) -> (i32, i32) {
    %c0_i32 = arith.constant 0 : i32
    %c0_i32_0 = arith.constant 0 : i32
    %c0_i32_1 = arith.constant 0 : i32
    return %c0_i32, %c0_i32_0 : i32, i32
  }
  func.func @transform_3(%arg0: i32) -> (i32, i32) {
    %c0_i32 = arith.constant 0 : i32
    %c0_i32_0 = arith.constant 0 : i32
    %c0_i32_1 = arith.constant 0 : i32
    return %c0_i32, %c0_i32_0 : i32, i32
  }
  func.func @transform_4(%arg0: i32) -> (i32, i32, i32) {
    %c0_i32 = arith.constant 0 : i32
    %c0_i32_0 = arith.constant 0 : i32
    %c0_i32_1 = arith.constant 0 : i32
    %c0_i32_2 = arith.constant 0 : i32
    return %c0_i32, %c0_i32_0, %c0_i32_1 : i32, i32, i32
  }
  func.func @transform_5(%arg0: i32) -> (i32, i32) {
    %c0_i32 = arith.constant 0 : i32
    %c0_i32_0 = arith.constant 0 : i32
    return %arg0, %c0_i32 : i32, i32
  }
}

module attributes {stable_mosaic.version = 14 : i64} {
  func.func @_final_body(%arg0: i32, %arg1: memref<4x2048x32xf32, #tpu.memory_space<vmem>>, %arg2: memref<4x32x128xf32, #tpu.memory_space<vmem>>, %arg3: memref<1x128xf32, #tpu.memory_space<vmem>>, %arg4: memref<2048x128xf32, #tpu.memory_space<vmem>>) attributes {dimension_semantics = [#tpu.dimension_semantics<arbitrary>], iteration_bounds = array<i64: 4>, scalar_prefetch = 0 : i64, scratch_operands = 0 : i64, tpu.core_type = #tpu.core_type<tc>, window_params = [{transform_indices = @transform_0, window_bounds = array<i64: 4, 2048, 32>}, {pipeline_mode = #tpu.pipeline_mode<synchronous>, transform_indices = @transform_1, window_bounds = array<i64: 4, 32, 128>}, {pipeline_mode = #tpu.pipeline_mode<synchronous>, transform_indices = @transform_2, window_bounds = array<i64: 1, 128>}, {transform_indices = @transform_3, window_bounds = array<i64: 2048, 128>}]} {
    %get3A = arith.constant 0 : index
    %get3A_0 = arith.constant 0 : index
    %get3A_1 = vector.load %arg3[%get3A, %get3A_0] : memref<1x128xf32, #tpu.memory_space<vmem>>, vector<1x128xf32>
    %get3A_2 = arith.constant 0 : index
    %get3A_3 = arith.constant 0 : index
    %get3A_4 = arith.constant 0 : index
    %get3A_5 = vector.load %arg1[%get3A_2, %get3A_3, %get3A_4] : memref<4x2048x32xf32, #tpu.memory_space<vmem>>, vector<1x2048x32xf32>
    %get3A_6 = vector.shape_cast %get3A_5 : vector<1x2048x32xf32> to vector<2048x32xf32>
    %get3A_7 = arith.constant 0 : index
    %get3A_8 = arith.constant 0 : index
    %get3A_9 = arith.constant 0 : index
    %get3A_10 = vector.load %arg2[%get3A_7, %get3A_8, %get3A_9] : memref<4x32x128xf32, #tpu.memory_space<vmem>>, vector<1x32x128xf32>
    %get3A_11 = vector.shape_cast %get3A_10 : vector<1x32x128xf32> to vector<32x128xf32>
    %dot_general3A = arith.constant dense<0.000000e+00> : vector<2048x128xf32>
    %dot_general3A_12 = tpu.matmul %get3A_6, %get3A_11, %dot_general3A {dimension_numbers = #tpu.dot_dimension_numbers<[1], [0], [0], [1], [0, 0, 1, 1], [], []>, transpose_lhs_hint = false} : vector<2048x32xf32>, vector<32x128xf32>, vector<2048x128xf32> -> vector<2048x128xf32>
    %add3A = vector.broadcast %get3A_1 : vector<1x128xf32> to vector<2048x128xf32>
    %add3A_13 = arith.addf %add3A, %dot_general3A_12 : vector<2048x128xf32>
    %get3A_14 = arith.constant 1 : index
    %get3A_15 = arith.constant 0 : index
    %get3A_16 = arith.constant 0 : index
    %get3A_17 = vector.load %arg1[%get3A_14, %get3A_15, %get3A_16] : memref<4x2048x32xf32, #tpu.memory_space<vmem>>, vector<1x2048x32xf32>
    %get3A_18 = vector.shape_cast %get3A_17 : vector<1x2048x32xf32> to vector<2048x32xf32>
    %get3A_19 = arith.constant 1 : index
    %get3A_20 = arith.constant 0 : index
    %get3A_21 = arith.constant 0 : index
    %get3A_22 = vector.load %arg2[%get3A_19, %get3A_20, %get3A_21] : memref<4x32x128xf32, #tpu.memory_space<vmem>>, vector<1x32x128xf32>
    %get3A_23 = vector.shape_cast %get3A_22 : vector<1x32x128xf32> to vector<32x128xf32>
    %dot_general3A_24 = arith.constant dense<0.000000e+00> : vector<2048x128xf32>
    %dot_general3A_25 = tpu.matmul %get3A_18, %get3A_23, %dot_general3A_24 {dimension_numbers = #tpu.dot_dimension_numbers<[1], [0], [0], [1], [0, 0, 1, 1], [], []>, transpose_lhs_hint = false} : vector<2048x32xf32>, vector<32x128xf32>, vector<2048x128xf32> -> vector<2048x128xf32>
    %add3A_26 = arith.addf %add3A_13, %dot_general3A_25 : vector<2048x128xf32>
    %get3A_27 = arith.constant 2 : index
    %get3A_28 = arith.constant 0 : index
    %get3A_29 = arith.constant 0 : index
    %get3A_30 = vector.load %arg1[%get3A_27, %get3A_28, %get3A_29] : memref<4x2048x32xf32, #tpu.memory_space<vmem>>, vector<1x2048x32xf32>
    %get3A_31 = vector.shape_cast %get3A_30 : vector<1x2048x32xf32> to vector<2048x32xf32>
    %get3A_32 = arith.constant 2 : index
    %get3A_33 = arith.constant 0 : index
    %get3A_34 = arith.constant 0 : index
    %get3A_35 = vector.load %arg2[%get3A_32, %get3A_33, %get3A_34] : memref<4x32x128xf32, #tpu.memory_space<vmem>>, vector<1x32x128xf32>
    %get3A_36 = vector.shape_cast %get3A_35 : vector<1x32x128xf32> to vector<32x128xf32>
    %dot_general3A_37 = arith.constant dense<0.000000e+00> : vector<2048x128xf32>
    %dot_general3A_38 = tpu.matmul %get3A_31, %get3A_36, %dot_general3A_37 {dimension_numbers = #tpu.dot_dimension_numbers<[1], [0], [0], [1], [0, 0, 1, 1], [], []>, transpose_lhs_hint = false} : vector<2048x32xf32>, vector<32x128xf32>, vector<2048x128xf32> -> vector<2048x128xf32>
    %add3A_39 = arith.addf %add3A_26, %dot_general3A_38 : vector<2048x128xf32>
    %get3A_40 = arith.constant 3 : index
    %get3A_41 = arith.constant 0 : index
    %get3A_42 = arith.constant 0 : index
    %get3A_43 = vector.load %arg1[%get3A_40, %get3A_41, %get3A_42] : memref<4x2048x32xf32, #tpu.memory_space<vmem>>, vector<1x2048x32xf32>
    %get3A_44 = vector.shape_cast %get3A_43 : vector<1x2048x32xf32> to vector<2048x32xf32>
    %get3A_45 = arith.constant 3 : index
    %get3A_46 = arith.constant 0 : index
    %get3A_47 = arith.constant 0 : index
    %get3A_48 = vector.load %arg2[%get3A_45, %get3A_46, %get3A_47] : memref<4x32x128xf32, #tpu.memory_space<vmem>>, vector<1x32x128xf32>
    %get3A_49 = vector.shape_cast %get3A_48 : vector<1x32x128xf32> to vector<32x128xf32>
    %dot_general3A_50 = arith.constant dense<0.000000e+00> : vector<2048x128xf32>
    %dot_general3A_51 = tpu.matmul %get3A_44, %get3A_49, %dot_general3A_50 {dimension_numbers = #tpu.dot_dimension_numbers<[1], [0], [0], [1], [0, 0, 1, 1], [], []>, transpose_lhs_hint = false} : vector<2048x32xf32>, vector<32x128xf32>, vector<2048x128xf32> -> vector<2048x128xf32>
    %add3A_52 = arith.addf %add3A_39, %dot_general3A_51 : vector<2048x128xf32>
    %swap3A = arith.constant 0 : index
    %swap3A_53 = arith.constant 0 : index
    %swap3A_54 = vector.load %arg4[%swap3A, %swap3A_53] : memref<2048x128xf32, #tpu.memory_space<vmem>>, vector<2048x128xf32>
    tpu.vector_store %arg4[%swap3A, %swap3A_53], %add3A_52 {strides = array<i32>} : memref<2048x128xf32, #tpu.memory_space<vmem>>, vector<2048x128xf32>,
    return
  }
  func.func @transform_0(%arg0: i32) -> (i32, i32, i32) {
    %c0_i32 = arith.constant 0 : i32
    %c0_i32_0 = arith.constant 0 : i32
    %c0_i32_1 = arith.constant 0 : i32
    return %c0_i32, %arg0, %c0_i32_0 : i32, i32, i32
  }
  func.func @transform_1(%arg0: i32) -> (i32, i32, i32) {
    %c0_i32 = arith.constant 0 : i32
    %c0_i32_0 = arith.constant 0 : i32
    %c0_i32_1 = arith.constant 0 : i32
    %c0_i32_2 = arith.constant 0 : i32
    return %c0_i32, %c0_i32_0, %c0_i32_1 : i32, i32, i32
  }
  func.func @transform_2(%arg0: i32) -> (i32, i32) {
    %c0_i32 = arith.constant 0 : i32
    %c0_i32_0 = arith.constant 0 : i32
    %c0_i32_1 = arith.constant 0 : i32
    return %c0_i32, %c0_i32_0 : i32, i32
  }
  func.func @transform_3(%arg0: i32) -> (i32, i32) {
    %c0_i32 = arith.constant 0 : i32
    %c0_i32_0 = arith.constant 0 : i32
    return %arg0, %c0_i32 : i32, i32
  }
}

</mosaic_0001>

<sc_bundles>
// kernel: kernel.7.cloned.1.call-start
scs
__scs_entry_jumppad:
0x0: {  	(pc) =	sbr.rel $0x88, $3  }
0x1: {  	(tag) =	ssettag $0x0;
	lr =	simm.s32 $0x1  }
0x2: {  	[smem:$0x3F97] =	sst lr;
	_ =	strace $0xD0000000  }
0x3: {  	_ = 	snop  }
0x4: {  	_ = 	snop  }
0x5: {  	_ = 	snop  }
0x6: {  	_ = 	snop  }
0x7: {  	_ = 	snop  }
__scs_overlays_trampoline_lowered:
0x8: {  	[smem:$0x3FA6] =	sst s0  }
0x9: {  	[smem:$0x3FA7] =	sst s1  }
0xa: {  	[smem:$0x3FA8] =	sst s2  }
0xb: {  	[smem:$0x3FA9] =	sst s3  }
0xc: {  	[smem:$0x3FAA] =	sst s4  }
0xd: {  	[smem:$0x3FAB] =	sst s5  }
0xe: {  	[smem:$0x3FAC] =	sst s6  }
0xf: {  	[smem:$0x3FAD] =	sst s7  }
0x10: {  	[smem:$0x3FAE] =	sst s8  }
0x11: {  	[smem:$0x3FAF] =	sst s9;
	s0 =	simm.s32 @!p0 $0x0  }
0x12: {  	s1 =	sld [smem:$0x3F95];
	s0 =	simm.s32 @p0 $0x1  }
0x13: {  	[smem:$0x3FB0] =	sst s0;
	s0 =	simm.s32 @!p1 $0x0  }
0x14: {  	s2 =	sld [smem:$0x3F94];
	s0 =	simm.s32 @p1 $0x1  }
0x15: {  	[smem:$0x3FB1] =	sst s0;
	s0 =	simm.s32 @!p2 $0x0  }
0x16: {  	s3 =	sld [smem:$0x3FDB];
	s0 =	simm.s32 @p2 $0x1  }
0x17: {  	s4 =	simm.s32 $0x1BF5;
	[smem:$0x3FB3] =	sst s0  }
0x18: {  	s0 =	sld [smem:$0x3F96];
	_ =	swait.ge [sflag:s4], $0x0  }
0x19: {  	s7 =	sld [smem:$0x3F97]  }
0x1a: {  	s8 =	sadd.s32 $0xFFFFE003, lr  }
0x1b: {  	s9 =	sadd.s32 $0xFFFFFEF7, lr;
	s5 =	simm.s32 $0xFFFFFFFF;
	p2 =	slt.u32 s8, $0xFFFFF086  }
0x1c: {  	p1 =	slt.u32 s9, $0xF7A;
	s5 =	simm.s32 @!p2 $0x0  }
0x1d: {  	s5 =	simm.s32 @p1 $0x1;
	p0 =	seq.s32 s7, s2  }
0x1e: {  	s7 =	smul.u32 @!p0 $0xF7A, s2;
	p2 =	seq.s32 @!p0 s5, $0x0  }
0x1f: {  	s9 =	smul.u32 $0xF7A, s1;
	s8 =	simm.s32 @!p0 $0x1BF5;
	p2 =	por !p2, p0  }
0x20: {  	[sflag:s8] =	ssyncset.s32 @!p0 $0xFFFFF086;
	s6 =	sadd.s32 @!p0 s3, s7;
	s7 =	simm.s32 @!p0 $0x108  }
0x21: {  	s3 =	sadd.s32 s3, s9;
	s6 =	sadd.s32 @!p0 $0x88, s6;
	s7 =	simm.s32 @p2 $0x1082  }
0x22: {  	[simem:s7], [sflag:s8] =	dma.local @!p0 [hbm:s6], $0xF7A  }
0x23: {  	s9 =	sor.u32 $0xD0000000, s2;
	s6 =	simm.s32 $0x108;
	_ =	swait.ge @!p0 [sflag:s8], $0x0  }
0x24: {  	s3 =	sadd.s32 $0x88, s3;
	s6 =	simm.s32 @!p1 $0x1082;
	[sflag:s4] =	ssyncset.s32 $0xFFFFF086  }
0x25: {  	[simem:s6], [sflag:s4] =	dma.local [hbm:s3], $0xF7A  }
0x26: {  	[smem:$0x3F97] =	sst s1;
	(tag) =	ssettag s2;
	_ =	strace s9  }
0x27: {  	s1 =	sld [smem:$0x3FA7]  }
0x28: {  	s2 =	sld [smem:$0x3FA8]  }
0x29: {  	s4 =	sld [smem:$0x3FAA]  }
0x2a: {  	p0 =	seq.s32 s5, $0x0;
	s5 =	sld [smem:$0x3FAB]  }
0x2b: {  	s6 =	sld [smem:$0x3FAC]  }
0x2c: {  	s7 =	sld [smem:$0x3FAD]  }
0x2d: {  	s3 =	simm.s32 $0x108;
	s8 =	sld [smem:$0x3FAE]  }
0x2e: {  	s3 =	simm.s32 @!p0 $0x1082;
	s9 =	sld [smem:$0x3FAF]  }
0x2f: {  	lr =	sadd.s32 s0, s3;
	s0 =	sld [smem:$0x3FA6]  }
0x30: {  	s3 =	sld [smem:$0x3FA9]  }
0x31: {  	[smem:$0x3FB2] =	sst s10  }
0x32: {  	s10 =	sld [smem:$0x3FB0];
	_ =	sdelay $0x3  }
0x33: {  	p0 =	seq.s32 s10, $0x1;
	s10 =	sld [smem:$0x3FB2];
	_ =	sdelay $0x3  }
0x34: {  	[smem:$0x3FB2] =	sst s10  }
0x35: {  	s10 =	sld [smem:$0x3FB1];
	_ =	sdelay $0x3  }
0x36: {  	p1 =	seq.s32 s10, $0x1;
	s10 =	sld [smem:$0x3FB2];
	_ =	sdelay $0x3  }
0x37: {  	[smem:$0x3FB2] =	sst s10  }
0x38: {  	s10 =	sld [smem:$0x3FB3]  }
0x39: {  	_ = 	snop;
	(pc) =	sbr.ind lr, $3  }
0x3a: {  	_ = 	snop  }
0x3b: {  	_ = 	snop  }
0x3c: {  	p2 =	seq.s32 s10, $0x1;
	s10 =	sld [smem:$0x3FB2]  }
0x3d: {  	_ =	shalt  }
0x3e: {  	_ =	shalt  }
0x3f: {  	_ =	shalt  }
0x40: {  	_ =	shalt  }
0x41: {  	_ =	shalt  }
0x42: {  	_ =	shalt  }
0x43: {  	_ =	shalt  }
0x44: {  	_ =	shalt  }
0x45: {  	_ =	shalt  }
0x46: {  	_ =	shalt  }
0x47: {  	_ =	shalt  }
0x48: {  	_ =	shalt  }
0x49: {  	_ =	shalt  }
0x4a: {  	_ =	shalt  }
0x4b: {  	_ =	shalt  }
0x4c: {  	_ =	shalt  }
0x4d: {  	_ =	shalt  }
0x4e: {  	_ =	shalt  }
0x4f: {  	_ =	shalt  }
0x50: {  	_ =	shalt  }
0x51: {  	_ =	shalt  }
0x52: {  	_ =	shalt  }
0x53: {  	_ =	shalt  }
0x54: {  	_ =	shalt  }
0x55: {  	_ =	shalt  }
0x56: {  	_ =	shalt  }
0x57: {  	_ =	shalt  }
0x58: {  	_ =	shalt  }
0x59: {  	_ =	shalt  }
0x5a: {  	_ =	shalt  }
0x5b: {  	_ =	shalt  }
0x5c: {  	_ =	shalt  }
0x5d: {  	_ =	shalt  }
0x5e: {  	_ =	shalt  }
0x5f: {  	_ =	shalt  }
0x60: {  	_ =	shalt  }
0x61: {  	_ =	shalt  }
0x62: {  	_ =	shalt  }
0x63: {  	_ =	shalt  }
0x64: {  	_ =	shalt  }
0x65: {  	_ =	shalt  }
0x66: {  	_ =	shalt  }
0x67: {  	_ =	shalt  }
0x68: {  	_ =	shalt  }
0x69: {  	_ =	shalt  }
0x6a: {  	_ =	shalt  }
0x6b: {  	_ =	shalt  }
0x6c: {  	_ =	shalt  }
0x6d: {  	_ =	shalt  }
0x6e: {  	_ =	shalt  }
0x6f: {  	_ =	shalt  }
0x70: {  	_ =	shalt  }
0x71: {  	_ =	shalt  }
0x72: {  	_ =	shalt  }
0x73: {  	_ =	shalt  }
0x74: {  	_ =	shalt  }
0x75: {  	_ =	shalt  }
0x76: {  	_ =	shalt  }
0x77: {  	_ =	shalt  }
0x78: {  	_ =	shalt  }
0x79: {  	_ =	shalt  }
0x7a: {  	_ =	shalt  }
0x7b: {  	_ =	shalt  }
0x7c: {  	_ =	shalt  }
0x7d: {  	_ =	shalt  }
0x7e: {  	_ =	shalt  }
0x7f: {  	_ =	shalt  }
0x80: {  	_ =	shalt  }
0x81: {  	_ =	shalt  }
0x82: {  	_ =	shalt  }
0x83: {  	_ =	shalt  }
0x84: {  	_ =	shalt  }
0x85: {  	_ =	shalt  }
0x86: {  	_ =	shalt  }
0x87: {  	_ =	shalt  }
.Lfunc_end0:
.L_simem_size_0:
called_computation_lowered:
.L_overlay_start_0:
0x88: {  	s2 =	sld [smem:$0x3FD9]  }
0x89: {  	s3 =	sld [smem:$0x3FFE];
	_ =	sdelay $0x1  }
0x8a: {  	s1 =	srdreg.scid  }
0x8b: {  	s0 =	sand.u32 $0x1, s1  }
0x8c: {  	s14 =	sshll.u32 s0, $0xA;
	s2 =	sadd.s32 s3, s2  }
0x8d: {  	s2 =	sadd.s32 s2, s14  }
0x8e: {  	[smem:$0x3FBE] =	sst s2  }
0x8f: {  	_ = 	snop  }
0x90: {  	s2 =	sld [smem:$0x3FD0];
	_ =	sdelay $0x2  }
0x91: {  	s15 =	simm.s32 $0xA;
	s4 =	simm.s32 $0x10  }
0x92: {  	[smem:s4], [sflag:s15] =	dma.local [hbm:s2], $0x1  }
0x93: {  	_ =	swait.eq [sflag:s15], $0x1  }
0x94: {  	[sflag:s15] =	ssyncset.done $0x0  }
0x95: {  	[sflag:s15] =	ssyncadd.s32 $0xFFFFFFFF  }
0x96: {  	s16 =	sld [smem:$0x10];
	(tm) =	ssettm $0x1  }
0x97: {  	s17 =	sld [smem:$0x3FFB];
	_ =	sdelay $0x3  }
0x98: {  	_ =	strace s17  }
0x99: {  	s3 =	sld [smem:$0x3FFC];
	_ =	sdelay $0x3  }
0x9a: {  	_ =	strace s3  }
0x9b: {  	s3 =	sld [smem:$0x3FFD];
	_ =	sdelay $0x3  }
0x9c: {  	_ =	strace s3  }
0x9d: {  	_ =	strace $0x8FFFFFFF  }
0x9e: {  	s18 =	sld [smem:$0x3FDB];
	_ =	sdelay $0x1  }
0x9f: {  	s19 =	simm.s32 $_scs_section_size  }
0xa0: {  	s5 =	simm.s32 $_size__tile_overlayer_lowered;
	s6 =	simm.s32 $_tile_overlayer_lowered  }
0xa1: {  	s22 =	simm.s32 $0x1BFF;
	s21 =	sshll.u32 s6, $0x1;
	s3 =	sadd.s32 s19, s18  }
0xa2: {  	s7 =	simm.s32 $0x0;
	s20 =	sshll.u32 s5, $0x1;
	s5 =	sadd.s32 s21, s3  }
0xa3: {  	[timem:s7], [sflag:s22] =	dma.local [hbm:s5], s20  }
0xa4: {  	_ =	swait.ge [sflag:s22], s20  }
0xa5: {  	s4 =	ssub.s32 $0x0, s20;
	[sflag:s22] =	ssyncset.done $0x0  }
0xa6: {  	[sflag:s22] =	ssyncadd.s32 s4;
	_ =	sdelay $0x1  }
0xa7: {  	s23 =	simm.s32 $0x1B8B  }
0xa8: {  	_ =	swait.ge [sflag:s23], $0x1  }
0xa9: {  	[sflag:s23] =	ssyncset.done $0x0  }
0xaa: {  	s25 =	simm.s32 $0x1B8E;
	s24 =	sld [smem:$0x3FFE];
	[sflag:s23] =	ssyncadd.s32 $0xFFFFFFFF  }
0xab: {  	s26 =	simm.s32 $execute0_lowered;
	[smem:$0x3FD2] =	sst s25  }
0xac: {  	s5 =	sshll.u32 s26, $0x1;
	_ =	strace $0x80000046;
	[dreg:$0x1] =	wrdreg $0xFFFFFFFF  }
0xad: {  	s28 =	simm.s32 $_size_execute0_lowered;
	s3 =	sadd.s32 s3, s5;
	[dreg:$0x0] =	wrdreg $0x0  }
0xae: {  	s5 =	sshll.u32 s28, $0x1;
	[dreg:$0x2] =	wrdreg s3  }
0xaf: {  	[dreg:$0x3] =	wrdreg s5  }
0xb0: {  	[dreg:$0x4] =	wrdreg $0xC0  }
0xb1: {  	_ =	task [dreg:s7], $0x5FFFF  }
0xb2: {  	[dreg:$0x1] =	wrdreg $0xFFFFFFFF  }
0xb3: {  	[dreg:$0x0] =	wrdreg $0x60  }
0xb4: {  	[dreg:$0x2] =	wrdreg s16  }
0xb5: {  	[dreg:$0x3] =	wrdreg s24  }
0xb6: {  	[dreg:$0x4] =	wrdreg $0x9  }
0xb7: {  	_ =	task.clear_ibuf [dreg:s7], $0x5FFFF;
	_ =	strace $0x90000046  }
0xb8: {  	s29 =	simm.s32 $0x9;
	_ =	strace $0x80000048  }
0xb9: {  	_ =	swait.ge [sflag:s29], $0x1  }
0xba: {  	[sflag:s29] =	ssyncadd.s32 $0xFFFFFFFF  }
0xbb: {  	_ =	strace $0x90000048  }
0xbc: {  	_ =	sfence  }
0xbd: {  	s30 =	sld [smem:$0x0];
	_ =	sdelay $0x2  }
0xbe: {  	s31 =	sshll.u32 s1, $0xD;
	s1 =	sshrl.u32 s1, $0x2  }
0xbf: {  	s3 =	sand.u32 $0x4000, s31;
	s1 =	sadd.s32 s1, s30  }
0xc0: {  	s0 =	sor.u32 s3, s0;
	s1 =	sshll.u32 s1, $0x11  }
0xc1: {  	s0 =	sor.u32 s1, s0  }
0xc2: {  	s0 =	sadd.s32 $0x8F2B, s0  }
0xc3: {  	[sflag:s0] =	ssyncadd.remote.s32 $0x1  }
0xc4: {  	_ =	sfence.sel $0xFFFF  }
0xc5: {  	[dreg:$0x0] =	wrdreg $0xFFFFFFFF;
	(pc) =	sbr.abs _section_cstart, $3  }
0xc6: {  	[dreg:$0x1] =	wrdreg $0xFFFFFFFF  }
0xc7: {  	_ =	task.clear_ibuf [dreg:s7], $0x2FFFF;
	_ =	strace $0x9FFFFFFF  }
0xc8: {  	(tm) =	ssettm $0x7FFFFFFF  }
0xc9: {  	_ =	shalt  }
tec
execute0_lowered:
.L_overlay_start_1:
0x0: {  	(tag) =	ssettag $0x1  }
0x1: {  	s1 =	srdreg.scid;
	s2 =	rddreg [dreg:$0x0]  }
0x2: {  	s0 =	stileid.u32;
	s4 =	rddreg [dreg:$0x1];
	s3 =	simm.s32 $0x0  }
0x3: {  	s12 =	simm.s32 $0x6400;
	s14 =	simm.s32 $0xA400;
	s15 =	simm.s32 $0x1  }
0x4: {  	s16 =	simm.s32 $0xE400;
	s17 =	simm.s32 $0x2;
	s18 =	simm.s32 $0x5  }
0x5: {  	s19 =	simm.s32 $0x3;
	s20 =	simm.s32 $0x6;
	s21 =	simm.s32 $0x4  }
0x6: {  	s22 =	simm.s32 $0x7;
	s23 =	simm.s32 $0x8;
	s8 =	smul.u32 $0x240000, s0  }
0x7: {  	s6 =	sand.u32 $0x1, s1;
	s24 =	sshll.u32 s0, $0x1;
	s11 =	smul.u32 $0x48000, s0  }
0x8: {  	[smem:$0x7FF] =	sst s3;
	s9 =	sadd.s32 $0xAE00, s4;
	s10 =	smul.u32 $0x120000, s6  }
0x9: {  	s5 =	sor.u32 s6, s24;
	_ =	strace $0x80000047;
	s28 =	smul.u32 $0x24000, s6  }
0xa: {  	s7 =	ssub.s32 $0x2, s6;
	s24 =	simm.s32 $0x0;
	s5 =	smul.u32 $0x2400, s5  }
0xb: {  	s25 =	sshrl.u32 s7, $0x1;
	s30 =	sadd.s32 s11, s9;
	s11 =	simm.s32 $0x2400  }
0xc: {  	s7 =	ssub.s32 s7, s25;
	s26 =	sadd.s32 s10, s8;
	s5 =	sshrl.u32 s5, $0x3  }
0xd: {  	s8 =	sadd.s32 s28, s30;
	s29 =	sshrl.u32 s26, $0x3;
	s5 =	sadd.s32 s5, s4  }
0xe: {  	s4 =	sadd.s32 $0x1E00, s5;
	s5 =	smax.u32 s7, $0x1;
	s7 =	sor.u32 $0xC000, s26  }
0xf: {  	s10 =	simm.s32 $0x80;
	s6 =	sadd.s32 s29, s9;
	s31 =	sshrl.u32 s7, $0x3  }
0x10: {  	s7 =	sadd.s32 $0x1000, s8;
	s8 =	sadd.s32 s31, s9;
	s9 =	simm.s32 $0x9  }
.LBB2_1:
0x11: {  	[tilespmem:s3], [sflag:$0x9] =	stream.linear.gather [hbm4b:s4+s3], $0x2400, $0x38;
	[tilespmem:$0x12400] =	vst v63  }
0x12: {  	_ =	swait.ge [sflag:s9], $0x2400  }
0x13: {  	[sflag:s9] =	ssyncset.done $0x0  }
0x14: {  	[sflag:s9] =	ssyncadd.s32 $0xFFFFDC00  }
0x15: {  	[tilespmem:s11], [sflag:$0x1] =	stream.indirect.gather [hbm4b:s2+s10], $0x80, s3, s10, $0xb8;
	[tilespmem:$0x12400] =	vst v63  }
0x16: {  	_ = 	snop  }
0x17: {  	[tilespmem:s12], [sflag:$0x2] =	stream.indirect.gather [hbm4b:s2+s10], $0x80, s10, s10, $0xb8;
	[tilespmem:$0x12400] =	vst v63  }
0x18: {  	s0 =	simm.s32 $0x100  }
0x19: {  	[tilespmem:s14], [sflag:$0x3] =	stream.indirect.gather [hbm4b:s2+s10], $0x80, s0, s10, $0xb8;
	[tilespmem:$0x12400] =	vst v63  }
0x1a: {  	_ =	swait.ge [sflag:s15], $0x4000  }
0x1b: {  	p0 =	por $0x1, $0x1;
	[sflag:s15] =	ssyncset.done $0x0  }
0x1c: {  	s25 =	simm.s32 @!p0 $0x8;
	[sflag:s15] =	ssyncadd.s32 $0xFFFFC000  }
0x1d: {  	_ =	swait.ge @!p0 [sflag:s25], $0x4000  }
0x1e: {  	[sflag:s25] =	ssyncset.done @!p0 $0x0  }
0x1f: {  	s26 =	simm.s32 $0x180;
	[sflag:s25] =	ssyncadd.s32 @!p0 $0xFFFFC000  }
0x20: {  	[tilespmem:s16], [sflag:$0x4] =	stream.indirect.gather [hbm4b:s2+s10], $0x80, s26, s10, $0xb8;
	[tilespmem:$0x12400] =	vst v63  }
0x21: {  	_ = 	snop  }
0x22: {  	[hbm4b:s6+s3] =	stream.linear.scatter [tilespmem:s11], [sflag:$0x5], $0x4000, $0x38;
	[tilespmem:$0x12400] =	vst v63  }
0x23: {  	_ =	swait.ge [sflag:s17], $0x4000  }
0x24: {  	[sflag:s17] =	ssyncset.done $0x0  }
0x25: {  	[sflag:s17] =	ssyncadd.s32 $0xFFFFC000  }
0x26: {  	p0 =	por $0x0, $0x0;
	_ =	swait.ge [sflag:s18], $0x4000  }
0x27: {  	s25 =	simm.s32 @!p0 $0x2400;
	[sflag:s18] =	ssyncset.done $0x0  }
0x28: {  	s26 =	simm.s32 @!p0 $0x200;
	s28 =	simm.s32 @!p0 $0x80;
	[sflag:s18] =	ssyncadd.s32 $0xFFFFC000  }
0x29: {  	[tilespmem:s25], [sflag:$0x1] =	stream.indirect.gather @!p0 [hbm4b:s2+s28], $0x80, s26, s28, $0xb8;
	[tilespmem:$0x12400] =	vst v63  }
0x2a: {  	s31 =	sadd.s32 $0xFFFFF800, s7  }
0x2b: {  	[hbm4b:s31+s3] =	stream.linear.scatter [tilespmem:s12], [sflag:$0x6], $0x4000, $0x38;
	[tilespmem:$0x12400] =	vst v63  }
0x2c: {  	_ =	swait.ge [sflag:s19], $0x4000  }
0x2d: {  	[sflag:s19] =	ssyncset.done $0x0  }
0x2e: {  	[sflag:s19] =	ssyncadd.s32 $0xFFFFC000  }
0x2f: {  	_ =	swait.ge [sflag:s20], $0x4000  }
0x30: {  	[sflag:s20] =	ssyncset.done $0x0  }
0x31: {  	s25 =	simm.s32 @!p0 $0x280;
	s26 =	simm.s32 @!p0 $0x6400;
	[sflag:s20] =	ssyncadd.s32 $0xFFFFC000  }
0x32: {  	[tilespmem:s26], [sflag:$0x2] =	stream.indirect.gather @!p0 [hbm4b:s2+s28], $0x80, s25, s28, $0xb8;
	[tilespmem:$0x12400] =	vst v63  }
0x33: {  	_ = 	snop  }
0x34: {  	[hbm4b:s7+s3] =	stream.linear.scatter [tilespmem:s14], [sflag:$0x7], $0x4000, $0x38;
	[tilespmem:$0x12400] =	vst v63  }
0x35: {  	_ =	swait.ge [sflag:s21], $0x4000  }
0x36: {  	[sflag:s21] =	ssyncset.done $0x0  }
0x37: {  	[sflag:s21] =	ssyncadd.s32 $0xFFFFC000  }
0x38: {  	_ =	swait.ge [sflag:s22], $0x4000  }
0x39: {  	s29 =	sadd.s32 $0x2000, s8;
	s30 =	smov.u32 s8;
	[sflag:s22] =	ssyncset.done $0x0  }
0x3a: {  	s25 =	simm.s32 @!p0 $0x300;
	s26 =	simm.s32 @!p0 $0xA400;
	[sflag:s22] =	ssyncadd.s32 $0xFFFFC000  }
0x3b: {  	[tilespmem:s26], [sflag:$0x3] =	stream.indirect.gather @!p0 [hbm4b:s2+s28], $0x80, s25, s28, $0xb8;
	[tilespmem:$0x12400] =	vst v63  }
0x3c: {  	s25 =	simm.s32 $0x800;
	s26 =	sadd.s32 $0x2000, s6;
	s28 =	sadd.s32 $0x2000, s7  }
.LBB2_2:
0x3d: {  	[hbm4b:s30+s3] =	stream.linear.scatter [tilespmem:s16], [sflag:$0x8], $0x4000, $0x38;
	[tilespmem:$0x12400] =	vst v63  }
0x3e: {  	s31 =	smov.u32 s25;
	s25 =	sadd.s32 $0x800, s25;
	_ =	swait.ge [sflag:s15], $0x4000  }
0x3f: {  	p1 =	seq.s32 s31, $0x0;
	p0 =	sne.s32 s25, $0x9000;
	[sflag:s15] =	ssyncset.done $0x0  }
0x40: {  	s30 =	smov.u32 s29;
	s1 =	simm.s32 @!p1 $0x8;
	[sflag:s15] =	ssyncadd.s32 $0xFFFFC000  }
0x41: {  	_ =	swait.ge @!p1 [sflag:s1], $0x4000  }
0x42: {  	s0 =	sshra.s32 s31, $0x2;
	[sflag:s1] =	ssyncset.done @!p1 $0x0  }
0x43: {  	s0 =	sadd.s32 $0x180, s0;
	[sflag:s1] =	ssyncadd.s32 @!p1 $0xFFFFC000  }
0x44: {  	[tilespmem:s16], [sflag:$0x4] =	stream.indirect.gather [hbm4b:s2+s10], $0x80, s0, s10, $0xb8;
	[tilespmem:$0x12400] =	vst v63  }
0x45: {  	_ = 	snop  }
0x46: {  	[hbm4b:s26+s3] =	stream.linear.scatter [tilespmem:s11], [sflag:$0x5], $0x4000, $0x38;
	[tilespmem:$0x12400] =	vst v63  }
0x47: {  	_ =	swait.ge [sflag:s17], $0x4000  }
0x48: {  	[sflag:s17] =	ssyncset.done $0x0  }
0x49: {  	[sflag:s17] =	ssyncadd.s32 $0xFFFFC000  }
0x4a: {  	p1 =	seq.s32 s31, $0x8800;
	_ =	swait.ge [sflag:s18], $0x4000  }
0x4b: {  	s0 =	sshra.s32 @!p1 s31, $0x2;
	s1 =	simm.s32 @!p1 $0x2400;
	[sflag:s18] =	ssyncset.done $0x0  }
0x4c: {  	s13 =	simm.s32 @!p1 $0x80;
	s31 =	sadd.s32 @!p1 $0x200, s0;
	[sflag:s18] =	ssyncadd.s32 $0xFFFFC000  }
0x4d: {  	[tilespmem:s1], [sflag:$0x1] =	stream.indirect.gather @!p1 [hbm4b:s2+s13], $0x80, s31, s13, $0xb8;
	[tilespmem:$0x12400] =	vst v63  }
0x4e: {  	s1 =	sadd.s32 $0xFFFFF800, s28;
	s31 =	sadd.s32 @!p1 $0x280, s0;
	s0 =	sadd.s32 @!p1 $0x300, s0  }
0x4f: {  	[hbm4b:s1+s3] =	stream.linear.scatter [tilespmem:s12], [sflag:$0x6], $0x4000, $0x38;
	[tilespmem:$0x12400] =	vst v63  }
0x50: {  	_ =	swait.ge [sflag:s19], $0x4000  }
0x51: {  	[sflag:s19] =	ssyncset.done $0x0  }
0x52: {  	[sflag:s19] =	ssyncadd.s32 $0xFFFFC000  }
0x53: {  	_ =	swait.ge [sflag:s20], $0x4000  }
0x54: {  	[sflag:s20] =	ssyncset.done $0x0  }
0x55: {  	s1 =	simm.s32 @!p1 $0x6400;
	[sflag:s20] =	ssyncadd.s32 $0xFFFFC000  }
0x56: {  	[tilespmem:s1], [sflag:$0x2] =	stream.indirect.gather @!p1 [hbm4b:s2+s13], $0x80, s31, s13, $0xb8;
	[tilespmem:$0x12400] =	vst v63  }
0x57: {  	_ = 	snop  }
0x58: {  	[hbm4b:s28+s3] =	stream.linear.scatter [tilespmem:s14], [sflag:$0x7], $0x4000, $0x38;
	[tilespmem:$0x12400] =	vst v63  }
0x59: {  	_ =	swait.ge [sflag:s21], $0x4000  }
0x5a: {  	[sflag:s21] =	ssyncset.done $0x0  }
0x5b: {  	[sflag:s21] =	ssyncadd.s32 $0xFFFFC000  }
.Ltmp0:
0x5c: {  	_ =	swait.ge [sflag:s22], $0x4000;
	(pc) =	sbr.rel @p0 .LBB2_2-.Ltmp0, $4  }
0x5d: {  	[sflag:s22] =	ssyncset.done $0x0  }
0x5e: {  	s1 =	simm.s32 @!p1 $0xA400;
	[sflag:s22] =	ssyncadd.s32 $0xFFFFC000  }
0x5f: {  	[tilespmem:s1], [sflag:$0x3] =	stream.indirect.gather @!p1 [hbm4b:s2+s13], $0x80, s0, s13, $0xb8;
	[tilespmem:$0x12400] =	vst v63  }
0x60: {  	s29 =	sadd.s32 $0x2000, s29;
	s26 =	sadd.s32 $0x2000, s26;
	s28 =	sadd.s32 $0x2000, s28  }
0x61: {  	s24 =	sadd.s32 $0x1, s24  }
0x62: {  	p0 =	sne.s32 s24, s5  }
.Ltmp1:
0x63: {  	_ = 	snop;
	(pc) =	sbr.rel @p0 .LBB2_1-.Ltmp1, $4  }
0x64: {  	[hbm4b:s30+s3] =	stream.linear.scatter [tilespmem:s16], [sflag:$0x8], $0x4000, $0x38;
	[tilespmem:$0x12400] =	vst v63  }
0x65: {  	_ =	swait.ge [sflag:s23], $0x4000  }
0x66: {  	[sflag:s23] =	ssyncset.done $0x0  }
0x67: {  	[sflag:s23] =	ssyncadd.s32 $0xFFFFC000  }
0x68: {  	_ =	sfence.sel $0x180000  }
0x69: {  	[bflag:$0x0] =	sbarrier.arrive $0xFFFF  }
0x6a: {  	_ =	strace $0x90000047  }
0x6b: {  	s0 =	stileid.u32;
	[bflag:$0x2] =	sbarrier.arrive $0xFFFF  }
0x6c: {  	p0 =	sne.s32 s0, $0x0;
	s0 =	rddreg [dreg:$0x2]  }
0x6d: {  	s0 =	sadd.s32 @!p0 $0x100000, s0  }
0x6e: {  	[sflag:s0] =	ssyncadd.tile.s32 @!p0 $0x1;
	_ =	shalt  }
.Lfunc_end2:
_tile_overlayer_lowered:
.L_overlay_start_2:
0x6f: {  	(tag) =	ssettag $0x2  }
0x70: {  	s0 =	rddreg [dreg:$0x0];
	s2 =	stileid.u32  }
0x71: {  	s1 =	rddreg [dreg:$0x1];
	p0 =	sne.s32 s2, $0x0  }
0x72: {  	s3 =	rddreg [dreg:$0x2];
	[bflag:$0x3] =	sbarrier.arrive $0xFFFF;
	s2 =	simm.s32 @!p0 $0x1C09  }
0x73: {  	[timem:s3], [sflag:s2] =	dma.local @!p0 [hbm:s0], s1  }
0x74: {  	s0 =	simm.s32 @!p0 $0x9  }
0x75: {  	_ =	swait.ge @!p0 [sflag:s0], s1  }
0x76: {  	s1 =	ssub.s32 @!p0 $0x0, s1;
	[sflag:s0] =	ssyncset.done @!p0 $0x0  }
0x77: {  	[sflag:s0] =	ssyncadd.s32 @!p0 s1  }
0x78: {  	[bflag:$0x3] =	sbarrier.arrive $0xFFFF  }
0x79: {  	_ =	shalt  }

</sc_bundles>
